<compile_context>
chip_gen: v7x
topology: tpu7x:2x2x1
jax: 0.10.2.dev20260603
libtpu: 0.0.44.dev20260713+nightly
codegen_flags: <defaults>
</compile_context>

<pallas_src>
import functools

import jax
import jax.numpy as jnp
from jax import lax
from jax.experimental import pallas as pl
from jax.experimental.pallas import tpu as pltpu
from jax.experimental.pallas import tpu_sc as plsc

NSAMPLE = 16
KH = NSAMPLE // 2
LEAKY = 0.1
TN1 = 256
RT = 256
DG = 128
GCH = 128


def _leaky(x):
    return jnp.where(x >= 0, x, LEAKY * x)


def _knn_body(knn1_ref, knn2_ref, xyz1_ref, xyz2_ref, idx_ref):
    b = pl.program_id(0)
    n2 = knn2_ref.shape[2]
    k1 = knn1_ref[0]
    k2 = knn2_ref[0]
    dot = lax.dot_general(k1, k2, (((0,), (0,)), ((), ())),
                          preferred_element_type=jnp.float32)
    csq = jnp.sum(k2 * k2, axis=0, keepdims=True)
    s = -dot * lax.rsqrt(csq + 1e-8)
    col = lax.broadcasted_iota(jnp.int32, (TN1, n2), 1)

    colf = col.astype(jnp.float32)

    def rowmin(x):
        return jnp.min(x, axis=1, keepdims=True)

    def top8(s):
        picks = []
        m = rowmin(s)
        prev = jnp.zeros((TN1, 1), jnp.float32)
        for _ in range(KH):
            le = s <= m
            cur = jnp.sum(jnp.where(le, colf, 0.0), axis=1, keepdims=True)
            picks.append(jnp.clip((cur - prev).astype(jnp.int32), 0, n2 - 1))
            prev = cur
            m = rowmin(jnp.where(le, jnp.float32(3e38), s))
        return picks

    picks = top8(s)
    x1 = xyz1_ref[0]
    x2 = xyz2_ref[0]
    d = lax.dot_general(x1, x2, (((0,), (0,)), ((), ())),
                        preferred_element_type=jnp.float32)
    s2 = jnp.sum(x2 * x2, axis=0, keepdims=True) - 2.0 * d
    picks += top8(s2)
    idx_ref[0] = jnp.concatenate(picks, axis=1) + b * n2


def _knn_pallas(knn1, knn2, xyz1, xyz2):
    b, c, n1 = knn1.shape
    n2 = knn2.shape[2]
    return pl.pallas_call(
        _knn_body,
        grid=(b, n1 // TN1),
        in_specs=[
            pl.BlockSpec((1, c, TN1), lambda i, t: (i, 0, t)),
            pl.BlockSpec((1, c, n2), lambda i, t: (i, 0, 0)),
            pl.BlockSpec((1, 3, TN1), lambda i, t: (i, 0, t)),
            pl.BlockSpec((1, 3, n2), lambda i, t: (i, 0, 0)),
        ],
        out_specs=pl.BlockSpec((1, TN1, NSAMPLE), lambda i, t: (i, t, 0)),
        out_shape=jax.ShapeDtypeStruct((b, n1, NSAMPLE), jnp.int32),
    )(knn1, knn2, xyz1, xyz2)


def _gather_pallas(table, idx_flat):
    tot = idx_flat.shape[0]
    nwork = 32
    per = tot // nwork
    nch = per // GCH
    mesh = plsc.VectorSubcoreMesh(core_axis_name="c", subcore_axis_name="s")

    @functools.partial(
        pl.kernel,
        out_type=jax.ShapeDtypeStruct((tot, DG), jnp.float32),
        scratch_types=[
            pltpu.VMEM((GCH,), jnp.int32),
            pltpu.VMEM((GCH, DG), jnp.float32),
            pltpu.SemaphoreType.DMA,
        ],
        mesh=mesh,
    )
    def gk(table_hbm, idx_hbm, out_hbm, idx_v, rows_v, sem):
        wid = lax.axis_index("s") * 2 + lax.axis_index("c")
        for ch in range(nch):
            base = wid * per + ch * GCH
            pltpu.sync_copy(idx_hbm.at[pl.ds(base, GCH)], idx_v)
            pltpu.async_copy(table_hbm.at[idx_v], rows_v, sem).wait()
            pltpu.sync_copy(rows_v, out_hbm.at[pl.ds(base, GCH)])

    return gk(table, idx_flat)


_PARAM_ORDER = (
    'W_r0', 'b_r0', 'W_r1', 'b_r1', 'W_r2', 'b_r2',
    'W_z0', 'b_z0', 'W_z1', 'b_z1', 'W_z2', 'b_z2',
    'W_h0', 'b_h0', 'W_h1', 'b_h1', 'W_h2', 'b_h2',
    'fuse_r', 'fuse_r_o', 'fuse_z', 'fuse_r_2', 'fuse_r_o_2', 'fuse_z_2',
)


def _mm(x, w):
    return lax.dot_general(x, w, (((1,), (1,)), ((), ())),
                           preferred_element_type=jnp.float32)


def _gru_body(g_ref, p1t_ref, x1t_ref,
              wr0, br0, wr1, br1, wr2, br2,
              wz0, bz0, wz1, bz1, wz2, bz2,
              wh0, bh0, wh1, bh1, wh2, bh2,
              fr, fro, fz, fr2, fro2, fz2,
              out_ref):
    m = RT * NSAMPLE
    g = g_ref[0]
    nx = g[:, 0:3]
    feat = g[:, 3:3 + 64]
    x1 = x1t_ref[0]
    p1 = p1t_ref[0]
    x1b = jnp.broadcast_to(x1[:, None, :], (RT, NSAMPLE, 3)).reshape(m, 3)
    d3 = nx - x1b

    gcat = _mm(feat, jnp.concatenate([fr2[0], fro2[0], fz2[0]], axis=0))
    l0 = _mm(d3, jnp.concatenate([wr0[0], wz0[0], wh0[0]], axis=0))
    p1cat = _mm(p1, jnp.concatenate([fr[0], fz[0], fro[0]], axis=0))

    rz = l0[:, 0:128] + jnp.concatenate([br0[0], bz0[0]], axis=1) \
        + gcat[:, 0:128]
    rz = rz.reshape(RT, NSAMPLE, 128) + p1cat[:, None, 0:128]
    rz = _leaky(rz).reshape(m, 128)
    wrz1 = jnp.concatenate([
        jnp.concatenate([wr1[0], jnp.zeros((64, 64), jnp.float32)], axis=1),
        jnp.concatenate([jnp.zeros((64, 64), jnp.float32), wz1[0]], axis=1),
    ], axis=0)
    rz = _mm(rz, wrz1) + jnp.concatenate([br1[0], bz1[0]], axis=1)
    r = _leaky(rz[:, 0:64])
    z = _leaky(rz[:, 64:128])
    r = jax.nn.sigmoid(_mm(r, wr2[0]) + br2[0])
    z = jnp.max(z.reshape(RT, NSAMPLE, 64), axis=1)
    z = jax.nn.sigmoid(_mm(z, wz2[0]) + bz2[0])

    p1_exp = (r.reshape(RT, NSAMPLE, 64) * p1cat[:, None, 128:192]).reshape(m, 64)
    h = l0[:, 128:192] + bh0[0] + p1_exp + gcat[:, 128:192]
    h = _leaky(h)
    h = _leaky(_mm(h, wh1[0]) + bh1[0])
    h = jnp.max(h.reshape(RT, NSAMPLE, 64), axis=1)
    h = _leaky(_mm(h, wh2[0]) + bh2[0])

    out_ref[0] = (1.0 - z) * p1 + z * h


def _gru_pallas(g3, p1t, x1t, params):
    b, n1, c = p1t.shape
    wargs = []
    wspecs = []
    for name in _PARAM_ORDER:
        w = params[name]
        w2 = w.reshape(1, *w.shape) if w.ndim == 2 else w.reshape(1, 1, w.shape[0])
        wargs.append(w2)
        wspecs.append(pl.BlockSpec(w2.shape, lambda i, t: (0, 0, 0)))
    return pl.pallas_call(
        _gru_body,
        grid=(b, n1 // RT),
        in_specs=[
            pl.BlockSpec((1, RT * NSAMPLE, DG), lambda i, t: (i, t, 0)),
            pl.BlockSpec((1, RT, c), lambda i, t: (i, t, 0)),
            pl.BlockSpec((1, RT, 3), lambda i, t: (i, t, 0)),
        ] + wspecs,
        out_specs=pl.BlockSpec((1, RT, c), lambda i, t: (i, t, 0)),
        out_shape=jax.ShapeDtypeStruct((b, n1, c), jnp.float32),
    )(g3, p1t, x1t, *wargs)


def kernel(xyz1, xyz2, points1, points2, knn1, knn2, params):
    b, _, n1 = xyz1.shape
    n2 = xyz2.shape[2]
    c = points1.shape[1]
    xyz2t = jnp.transpose(xyz2, (0, 2, 1)).reshape(b * n2, 3)
    p2t = jnp.transpose(points2, (0, 2, 1)).reshape(b * n2, c)
    pad = jnp.zeros((b * n2, DG - 3 - c), jnp.float32)
    table = jnp.concatenate([xyz2t, p2t, pad], axis=1)
    p1t = jnp.transpose(points1, (0, 2, 1))
    x1t = jnp.transpose(xyz1, (0, 2, 1))
    idxs = [_knn_pallas(knn1[i:i + 1], knn2[i:i + 1],
                        xyz1[i:i + 1], xyz2[i:i + 1]) + i * n2
            for i in range(b)]
    gath = [_gather_pallas(table, idxs[i].reshape(n1 * NSAMPLE))
            for i in range(b)]
    outs = [_gru_pallas(gath[i].reshape(1, n1 * NSAMPLE, DG),
                        p1t[i:i + 1], x1t[i:i + 1], params)
            for i in range(b)]
    return jnp.transpose(jnp.concatenate(outs, axis=0), (0, 2, 1))

# --- scband reference (transcript-rebuilt; emitter-appended) ---
"""Pipeline reference for scband-grumapping-no-gcn-47373489274957 (READ-ONLY COPY).

The authoritative reference and input builder live on the scoring server;
editing this copy changes nothing except your own understanding.
"""

import jax, jax.numpy as jnp
import numpy as np

NSAMPLE = 16
LEAKY = 0.1

def _leaky(x):
    return jnp.where(x >= 0, x, LEAKY * x)

def _square_distance(src, dst):
    d = -2.0 * jnp.einsum('bnc,bmc->bnm', src, dst)
    d = d + jnp.sum(src ** 2, -1)[:, :, None]
    d = d + jnp.sum(dst ** 2, -1)[:, None, :]
    return d

def _cosine_distance(src, dst):
    s = src / jnp.sqrt(jnp.sum(src ** 2, -1, keepdims=True) + 1e-8)
    t = dst / jnp.sqrt(jnp.sum(dst ** 2, -1, keepdims=True) + 1e-8)
    return 1.0 - jnp.einsum('bnc,bmc->bnm', s, t)

def _knn(nsample, d):
    _, idx = jax.lax.top_k(-d, nsample)
    return idx

def _group(points, idx):
    # points [B,M,C], idx [B,N,K] -> [B,N,K,C]
    return jax.vmap(lambda p, i: p[i])(points, idx)

def setup_inputs(seed: int = 0):
    key = jax.random.key(seed)
    ks = jax.random.split(key, 40)
    B, N1, N2, C = 2, 2048, 8192, 64
    mlp = [64, 64, 64]
    inp = {
        'xyz1': jax.random.normal(ks[0], (B, 3, N1), jnp.float32),
        'xyz2': jax.random.normal(ks[1], (B, 3, N2), jnp.float32),
        'points1': jax.random.normal(ks[2], (B, C, N1), jnp.float32),
        'points2': jax.random.normal(ks[3], (B, C, N2), jnp.float32),
        'knn1': jax.random.normal(ks[4], (B, C, N1), jnp.float32),
        'knn2': jax.random.normal(ks[5], (B, C, N2), jnp.float32),
    }
    params = {}
    for j, name in enumerate(['fuse_r', 'fuse_r_o', 'fuse_z', 'fuse_r_2', 'fuse_r_o_2', 'fuse_z_2']):
        params[name] = jax.random.normal(ks[6 + j], (mlp[0], C), jnp.float32) * 0.05
    k = 12
    for br in ['r', 'z', 'h']:
        lc = 3
        for i, oc in enumerate(mlp):
            params['W_' + br + str(i)] = jax.random.normal(ks[k], (oc, lc), jnp.float32) * 0.05
            params['b_' + br + str(i)] = jnp.zeros((oc,), jnp.float32)
            k += 1
            lc = oc
    inp['params'] = params
    return inp

def _forward(xyz1, xyz2, points1, points2, knn1, knn2, params):
    ns = NSAMPLE
    nL = 3
    xyz1t = jnp.transpose(xyz1, (0, 2, 1))
    xyz2t = jnp.transpose(xyz2, (0, 2, 1))
    knn1t = jnp.transpose(knn1, (0, 2, 1))
    knn2t = jnp.transpose(knn2, (0, 2, 1))
    conv1d = lambda W, x: jnp.einsum('oc,bcn->bon', W, x)
    conv2d = lambda W, b, x: jnp.einsum('oc,bckn->bokn', W, x) + b[None, :, None, None]
    p2_r = jnp.transpose(conv1d(params['fuse_r_2'], points2), (0, 2, 1))
    p2_ro = jnp.transpose(conv1d(params['fuse_r_o_2'], points2), (0, 2, 1))
    p2_z = jnp.transpose(conv1d(params['fuse_z_2'], points2), (0, 2, 1))
    # use_fuse=True: half neighbors by feature cosine knn, half by euclidean knn
    idx_f = _knn(ns // 2, _cosine_distance(knn1t, knn2t))
    idx_p = _knn(ns // 2, _square_distance(xyz1t, xyz2t))
    idx = jax.lax.stop_gradient(jnp.concatenate([idx_f, idx_p], axis=-1))  # [B,N1,ns]
    neighbor_xyz = _group(xyz2t, idx)  # [B,N1,ns,3]
    direction_xyz = jnp.transpose(neighbor_xyz - xyz1t[:, :, None, :], (0, 3, 2, 1))  # [B,3,ns,N1]
    g_r = jnp.transpose(_group(p2_r, idx), (0, 3, 2, 1))
    g_ro = jnp.transpose(_group(p2_ro, idx), (0, 3, 2, 1))
    g_z = jnp.transpose(_group(p2_z, idx), (0, 3, 2, 1))
    r = direction_xyz
    for i in range(nL):
        r = conv2d(params['W_r' + str(i)], params['b_r' + str(i)], r)
        if i == 0:
            r = r + conv1d(params['fuse_r'], points1)[:, :, None, :] + g_r
        r = jax.nn.sigmoid(r) if i == nL - 1 else _leaky(r)
    z = direction_xyz
    for i in range(nL):
        z = conv2d(params['W_z' + str(i)], params['b_z' + str(i)], z)
        if i == 0:
            z = z + conv1d(params['fuse_z'], points1)[:, :, None, :] + g_ro
        z = jax.nn.sigmoid(z) if i == nL - 1 else _leaky(z)
        if i == nL - 2:
            z = jnp.max(z, axis=-2, keepdims=True)
    z = jnp.squeeze(z, -2)  # [B,C,N1]
    p1_ro = conv1d(params['fuse_r_o'], points1)
    p1_exp = r * p1_ro[:, :, None, :]
    h = direction_xyz
    for i in range(nL):
        h = conv2d(params['W_h' + str(i)], params['b_h' + str(i)], h)
        if i == 0:
            h = h + p1_exp + g_z
        h = _leaky(h)  # self.relu is a LeakyReLU module (truthy) => leaky on last layer too
        if i == nL - 2:
            h = jnp.max(h, axis=-2, keepdims=True)
    h = jnp.squeeze(h, -2)  # [B,C,N1]
    new_points = (1.0 - z) * points1 + z * h
    return new_points

def reference(xyz1, xyz2, points1, points2, knn1, knn2, params):
    return _forward(xyz1, xyz2, points1, points2, knn1, knn2, params)

if __name__ == "__main__":
    import jax
    _d = setup_inputs()
    print(jax.jit(kernel)(*tuple(_d.values())))

</pallas_src>

<mosaic_0001>
#map = affine_map<(d0, d1) -> (0, 0)>
#map1 = affine_map<(d0, d1) -> (0)>
module attributes {stable_mosaic.version = 14 : i64} {
  func.func @gk(%arg0: i32, %arg1: i32, %arg2: memref<16384x128xf32, #tpu.memory_space<hbm>>, %arg3: memref<32768xi32, #tpu.memory_space<hbm>>, %arg4: memref<32768x128xf32, #tpu.memory_space<hbm>>, %arg5: memref<128xi32, #tpu.memory_space<vmem>>, %arg6: memref<128x128xf32, #tpu.memory_space<vmem>>, %arg7: memref<!tpu.dma_semaphore, #tpu.memory_space<semaphore_mem>>) attributes {dimension_semantics = [#tpu.dimension_semantics<core_parallel>, #tpu.dimension_semantics<subcore_parallel>], iteration_bounds = array<i64: 2, 16>, scalar_prefetch = 0 : i64, scratch_operands = 3 : i64, tpu.core_type = #tpu.core_type<sc_vector_subcore>, window_params = [{transform_indices = #map}, {transform_indices = #map1}, {transform_indices = #map}]} {
    %mul3A = arith.constant 2 : i32
    %mul3A_0 = arith.muli %arg1, %mul3A : i32
    %add3A = arith.addi %mul3A_0, %arg0 : i32
    %mul3A_1 = arith.constant 1024 : i32
    %mul3A_2 = arith.muli %add3A, %mul3A_1 : i32
    %add3A_3 = arith.constant 0 : i32
    %add3A_4 = arith.addi %mul3A_2, %add3A_3 : i32
    "tpu.region"() ({
      %run_scoped3A = tpu.sem_alloc : memref<!tpu.dma_semaphore, #tpu.memory_space<semaphore_mem>>
      %dma_start3A_79 = tpu.memref_slice %arg3[%add3A_4] : memref<32768xi32, #tpu.memory_space<hbm>> -> memref<128xi32, #tpu.memory_space<hbm>>
      %dma_start3A_80 = tpu.memref_slice %arg3[%add3A_4] : memref<32768xi32, #tpu.memory_space<hbm>> -> memref<128xi32, #tpu.memory_space<hbm>>
      tpu.enqueue_dma source(%dma_start3A_80 : memref<128xi32, #tpu.memory_space<hbm>>) target(%arg5 : memref<128xi32, #tpu.memory_space<vmem>>) target_semaphore(%run_scoped3A : memref<!tpu.dma_semaphore, #tpu.memory_space<semaphore_mem>>)
      %dma_wait3A_81 = tpu.memref_slice %arg3[%add3A_4] : memref<32768xi32, #tpu.memory_space<hbm>> -> memref<128xi32, #tpu.memory_space<hbm>>
      %dma_wait3A_82 = tpu.memref_slice %arg3[%add3A_4] : memref<32768xi32, #tpu.memory_space<hbm>> -> memref<128xi32, #tpu.memory_space<hbm>>
      tpu.wait_dma2 semaphore(%run_scoped3A : memref<!tpu.dma_semaphore, #tpu.memory_space<semaphore_mem>>) src(%dma_wait3A_82 : memref<128xi32, #tpu.memory_space<hbm>>) dst(%arg5 : memref<128xi32, #tpu.memory_space<vmem>>)
      tpu.yield
    }) : () -> ()
    %dma_start3A = arith.constant 0 : i32
    %dma_start3A_5 = arith.constant 0 : i32
    %dma_start3A_6 = tpu.memref_slice %arg2[%dma_start3A, %dma_start3A_5] : memref<16384x128xf32, #tpu.memory_space<hbm>> -> memref<16384x128xf32, #tpu.memory_space<hbm>>
    tpu.enqueue_indirect_dma source(%dma_start3A_6 : memref<16384x128xf32, #tpu.memory_space<hbm>>) target(%arg6 : memref<128x128xf32, #tpu.memory_space<vmem>>) offsets(%arg5 : memref<128xi32, #tpu.memory_space<vmem>>) semaphore(%arg7 : memref<!tpu.dma_semaphore, #tpu.memory_space<semaphore_mem>>)
    %dma_wait3A = arith.constant 0 : i32
    %dma_wait3A_7 = arith.constant 0 : i32
    %dma_wait3A_8 = tpu.memref_slice %arg2[%dma_wait3A, %dma_wait3A_7] : memref<16384x128xf32, #tpu.memory_space<hbm>> -> memref<16384x128xf32, #tpu.memory_space<hbm>>
    tpu.wait_indirect_dma semaphore(%arg7 : memref<!tpu.dma_semaphore, #tpu.memory_space<semaphore_mem>>) src(%dma_wait3A_8 : memref<16384x128xf32, #tpu.memory_space<hbm>>) dst(%arg6 : memref<128x128xf32, #tpu.memory_space<vmem>>)
    "tpu.region"() ({
      %run_scoped3A = tpu.sem_alloc : memref<!tpu.dma_semaphore, #tpu.memory_space<semaphore_mem>>
      %dma_start3A_79 = arith.constant 0 : i32
      %dma_start3A_80 = tpu.memref_slice %arg4[%add3A_4, %dma_start3A_79] : memref<32768x128xf32, #tpu.memory_space<hbm>> -> memref<128x128xf32, #tpu.memory_space<hbm>>
      %dma_start3A_81 = arith.constant 0 : i32
      %dma_start3A_82 = tpu.memref_slice %arg4[%add3A_4, %dma_start3A_81] : memref<32768x128xf32, #tpu.memory_space<hbm>> -> memref<128x128xf32, #tpu.memory_space<hbm>>
      tpu.enqueue_dma source(%arg6 : memref<128x128xf32, #tpu.memory_space<vmem>>) target(%dma_start3A_82 : memref<128x128xf32, #tpu.memory_space<hbm>>) target_semaphore(%run_scoped3A : memref<!tpu.dma_semaphore, #tpu.memory_space<semaphore_mem>>)
      %dma_wait3A_83 = arith.constant 0 : i32
      %dma_wait3A_84 = tpu.memref_slice %arg4[%add3A_4, %dma_wait3A_83] : memref<32768x128xf32, #tpu.memory_space<hbm>> -> memref<128x128xf32, #tpu.memory_space<hbm>>
      %dma_wait3A_85 = arith.constant 0 : i32
      %dma_wait3A_86 = tpu.memref_slice %arg4[%add3A_4, %dma_wait3A_85] : memref<32768x128xf32, #tpu.memory_space<hbm>> -> memref<128x128xf32, #tpu.memory_space<hbm>>
      tpu.wait_dma2 semaphore(%run_scoped3A : memref<!tpu.dma_semaphore, #tpu.memory_space<semaphore_mem>>) src(%arg6 : memref<128x128xf32, #tpu.memory_space<vmem>>) dst(%dma_wait3A_86 : memref<128x128xf32, #tpu.memory_space<hbm>>)
      tpu.yield
    }) : () -> ()
    %mul3A_9 = arith.constant 1024 : i32
    %mul3A_10 = arith.muli %add3A, %mul3A_9 : i32
    %add3A_11 = arith.constant 128 : i32
    %add3A_12 = arith.addi %mul3A_10, %add3A_11 : i32
    "tpu.region"() ({
      %run_scoped3A = tpu.sem_alloc : memref<!tpu.dma_semaphore, #tpu.memory_space<semaphore_mem>>
      %dma_start3A_79 = tpu.memref_slice %arg3[%add3A_12] : memref<32768xi32, #tpu.memory_space<hbm>> -> memref<128xi32, #tpu.memory_space<hbm>>
      %dma_start3A_80 = tpu.memref_slice %arg3[%add3A_12] : memref<32768xi32, #tpu.memory_space<hbm>> -> memref<128xi32, #tpu.memory_space<hbm>>
      tpu.enqueue_dma source(%dma_start3A_80 : memref<128xi32, #tpu.memory_space<hbm>>) target(%arg5 : memref<128xi32, #tpu.memory_space<vmem>>) target_semaphore(%run_scoped3A : memref<!tpu.dma_semaphore, #tpu.memory_space<semaphore_mem>>)
      %dma_wait3A_81 = tpu.memref_slice %arg3[%add3A_12] : memref<32768xi32, #tpu.memory_space<hbm>> -> memref<128xi32, #tpu.memory_space<hbm>>
      %dma_wait3A_82 = tpu.memref_slice %arg3[%add3A_12] : memref<32768xi32, #tpu.memory_space<hbm>> -> memref<128xi32, #tpu.memory_space<hbm>>
      tpu.wait_dma2 semaphore(%run_scoped3A : memref<!tpu.dma_semaphore, #tpu.memory_space<semaphore_mem>>) src(%dma_wait3A_82 : memref<128xi32, #tpu.memory_space<hbm>>) dst(%arg5 : memref<128xi32, #tpu.memory_space<vmem>>)
      tpu.yield
    }) : () -> ()
    %dma_start3A_13 = arith.constant 0 : i32
    %dma_start3A_14 = arith.constant 0 : i32
    %dma_start3A_15 = tpu.memref_slice %arg2[%dma_start3A_13, %dma_start3A_14] : memref<16384x128xf32, #tpu.memory_space<hbm>> -> memref<16384x128xf32, #tpu.memory_space<hbm>>
    tpu.enqueue_indirect_dma source(%dma_start3A_15 : memref<16384x128xf32, #tpu.memory_space<hbm>>) target(%arg6 : memref<128x128xf32, #tpu.memory_space<vmem>>) offsets(%arg5 : memref<128xi32, #tpu.memory_space<vmem>>) semaphore(%arg7 : memref<!tpu.dma_semaphore, #tpu.memory_space<semaphore_mem>>)
    %dma_wait3A_16 = arith.constant 0 : i32
    %dma_wait3A_17 = arith.constant 0 : i32
    %dma_wait3A_18 = tpu.memref_slice %arg2[%dma_wait3A_16, %dma_wait3A_17] : memref<16384x128xf32, #tpu.memory_space<hbm>> -> memref<16384x128xf32, #tpu.memory_space<hbm>>
    tpu.wait_indirect_dma semaphore(%arg7 : memref<!tpu.dma_semaphore, #tpu.memory_space<semaphore_mem>>) src(%dma_wait3A_18 : memref<16384x128xf32, #tpu.memory_space<hbm>>) dst(%arg6 : memref<128x128xf32, #tpu.memory_space<vmem>>)
    "tpu.region"() ({
      %run_scoped3A = tpu.sem_alloc : memref<!tpu.dma_semaphore, #tpu.memory_space<semaphore_mem>>
      %dma_start3A_79 = arith.constant 0 : i32
      %dma_start3A_80 = tpu.memref_slice %arg4[%add3A_12, %dma_start3A_79] : memref<32768x128xf32, #tpu.memory_space<hbm>> -> memref<128x128xf32, #tpu.memory_space<hbm>>
      %dma_start3A_81 = arith.constant 0 : i32
      %dma_start3A_82 = tpu.memref_slice %arg4[%add3A_12, %dma_start3A_81] : memref<32768x128xf32, #tpu.memory_space<hbm>> -> memref<128x128xf32, #tpu.memory_space<hbm>>
      tpu.enqueue_dma source(%arg6 : memref<128x128xf32, #tpu.memory_space<vmem>>) target(%dma_start3A_82 : memref<128x128xf32, #tpu.memory_space<hbm>>) target_semaphore(%run_scoped3A : memref<!tpu.dma_semaphore, #tpu.memory_space<semaphore_mem>>)
      %dma_wait3A_83 = arith.constant 0 : i32
      %dma_wait3A_84 = tpu.memref_slice %arg4[%add3A_12, %dma_wait3A_83] : memref<32768x128xf32, #tpu.memory_space<hbm>> -> memref<128x128xf32, #tpu.memory_space<hbm>>
      %dma_wait3A_85 = arith.constant 0 : i32
      %dma_wait3A_86 = tpu.memref_slice %arg4[%add3A_12, %dma_wait3A_85] : memref<32768x128xf32, #tpu.memory_space<hbm>> -> memref<128x128xf32, #tpu.memory_space<hbm>>
      tpu.wait_dma2 semaphore(%run_scoped3A : memref<!tpu.dma_semaphore, #tpu.memory_space<semaphore_mem>>) src(%arg6 : memref<128x128xf32, #tpu.memory_space<vmem>>) dst(%dma_wait3A_86 : memref<128x128xf32, #tpu.memory_space<hbm>>)
      tpu.yield
    }) : () -> ()
    %mul3A_19 = arith.constant 1024 : i32
    %mul3A_20 = arith.muli %add3A, %mul3A_19 : i32
    %add3A_21 = arith.constant 256 : i32
    %add3A_22 = arith.addi %mul3A_20, %add3A_21 : i32
    "tpu.region"() ({
      %run_scoped3A = tpu.sem_alloc : memref<!tpu.dma_semaphore, #tpu.memory_space<semaphore_mem>>
      %dma_start3A_79 = tpu.memref_slice %arg3[%add3A_22] : memref<32768xi32, #tpu.memory_space<hbm>> -> memref<128xi32, #tpu.memory_space<hbm>>
      %dma_start3A_80 = tpu.memref_slice %arg3[%add3A_22] : memref<32768xi32, #tpu.memory_space<hbm>> -> memref<128xi32, #tpu.memory_space<hbm>>
      tpu.enqueue_dma source(%dma_start3A_80 : memref<128xi32, #tpu.memory_space<hbm>>) target(%arg5 : memref<128xi32, #tpu.memory_space<vmem>>) target_semaphore(%run_scoped3A : memref<!tpu.dma_semaphore, #tpu.memory_space<semaphore_mem>>)
      %dma_wait3A_81 = tpu.memref_slice %arg3[%add3A_22] : memref<32768xi32, #tpu.memory_space<hbm>> -> memref<128xi32, #tpu.memory_space<hbm>>
      %dma_wait3A_82 = tpu.memref_slice %arg3[%add3A_22] : memref<32768xi32, #tpu.memory_space<hbm>> -> memref<128xi32, #tpu.memory_space<hbm>>
      tpu.wait_dma2 semaphore(%run_scoped3A : memref<!tpu.dma_semaphore, #tpu.memory_space<semaphore_mem>>) src(%dma_wait3A_82 : memref<128xi32, #tpu.memory_space<hbm>>) dst(%arg5 : memref<128xi32, #tpu.memory_space<vmem>>)
      tpu.yield
    }) : () -> ()
    %dma_start3A_23 = arith.constant 0 : i32
    %dma_start3A_24 = arith.constant 0 : i32
    %dma_start3A_25 = tpu.memref_slice %arg2[%dma_start3A_23, %dma_start3A_24] : memref<16384x128xf32, #tpu.memory_space<hbm>> -> memref<16384x128xf32, #tpu.memory_space<hbm>>
    tpu.enqueue_indirect_dma source(%dma_start3A_25 : memref<16384x128xf32, #tpu.memory_space<hbm>>) target(%arg6 : memref<128x128xf32, #tpu.memory_space<vmem>>) offsets(%arg5 : memref<128xi32, #tpu.memory_space<vmem>>) semaphore(%arg7 : memref<!tpu.dma_semaphore, #tpu.memory_space<semaphore_mem>>)
    %dma_wait3A_26 = arith.constant 0 : i32
    %dma_wait3A_27 = arith.constant 0 : i32
    %dma_wait3A_28 = tpu.memref_slice %arg2[%dma_wait3A_26, %dma_wait3A_27] : memref<16384x128xf32, #tpu.memory_space<hbm>> -> memref<16384x128xf32, #tpu.memory_space<hbm>>
    tpu.wait_indirect_dma semaphore(%arg7 : memref<!tpu.dma_semaphore, #tpu.memory_space<semaphore_mem>>) src(%dma_wait3A_28 : memref<16384x128xf32, #tpu.memory_space<hbm>>) dst(%arg6 : memref<128x128xf32, #tpu.memory_space<vmem>>)
    "tpu.region"() ({
      %run_scoped3A = tpu.sem_alloc : memref<!tpu.dma_semaphore, #tpu.memory_space<semaphore_mem>>
      %dma_start3A_79 = arith.constant 0 : i32
      %dma_start3A_80 = tpu.memref_slice %arg4[%add3A_22, %dma_start3A_79] : memref<32768x128xf32, #tpu.memory_space<hbm>> -> memref<128x128xf32, #tpu.memory_space<hbm>>
      %dma_start3A_81 = arith.constant 0 : i32
      %dma_start3A_82 = tpu.memref_slice %arg4[%add3A_22, %dma_start3A_81] : memref<32768x128xf32, #tpu.memory_space<hbm>> -> memref<128x128xf32, #tpu.memory_space<hbm>>
      tpu.enqueue_dma source(%arg6 : memref<128x128xf32, #tpu.memory_space<vmem>>) target(%dma_start3A_82 : memref<128x128xf32, #tpu.memory_space<hbm>>) target_semaphore(%run_scoped3A : memref<!tpu.dma_semaphore, #tpu.memory_space<semaphore_mem>>)
      %dma_wait3A_83 = arith.constant 0 : i32
      %dma_wait3A_84 = tpu.memref_slice %arg4[%add3A_22, %dma_wait3A_83] : memref<32768x128xf32, #tpu.memory_space<hbm>> -> memref<128x128xf32, #tpu.memory_space<hbm>>
      %dma_wait3A_85 = arith.constant 0 : i32
      %dma_wait3A_86 = tpu.memref_slice %arg4[%add3A_22, %dma_wait3A_85] : memref<32768x128xf32, #tpu.memory_space<hbm>> -> memref<128x128xf32, #tpu.memory_space<hbm>>
      tpu.wait_dma2 semaphore(%run_scoped3A : memref<!tpu.dma_semaphore, #tpu.memory_space<semaphore_mem>>) src(%arg6 : memref<128x128xf32, #tpu.memory_space<vmem>>) dst(%dma_wait3A_86 : memref<128x128xf32, #tpu.memory_space<hbm>>)
      tpu.yield
    }) : () -> ()
    %mul3A_29 = arith.constant 1024 : i32
    %mul3A_30 = arith.muli %add3A, %mul3A_29 : i32
    %add3A_31 = arith.constant 384 : i32
    %add3A_32 = arith.addi %mul3A_30, %add3A_31 : i32
    "tpu.region"() ({
      %run_scoped3A = tpu.sem_alloc : memref<!tpu.dma_semaphore, #tpu.memory_space<semaphore_mem>>
      %dma_start3A_79 = tpu.memref_slice %arg3[%add3A_32] : memref<32768xi32, #tpu.memory_space<hbm>> -> memref<128xi32, #tpu.memory_space<hbm>>
      %dma_start3A_80 = tpu.memref_slice %arg3[%add3A_32] : memref<32768xi32, #tpu.memory_space<hbm>> -> memref<128xi32, #tpu.memory_space<hbm>>
      tpu.enqueue_dma source(%dma_start3A_80 : memref<128xi32, #tpu.memory_space<hbm>>) target(%arg5 : memref<128xi32, #tpu.memory_space<vmem>>) target_semaphore(%run_scoped3A : memref<!tpu.dma_semaphore, #tpu.memory_space<semaphore_mem>>)
      %dma_wait3A_81 = tpu.memref_slice %arg3[%add3A_32] : memref<32768xi32, #tpu.memory_space<hbm>> -> memref<128xi32, #tpu.memory_space<hbm>>
      %dma_wait3A_82 = tpu.memref_slice %arg3[%add3A_32] : memref<32768xi32, #tpu.memory_space<hbm>> -> memref<128xi32, #tpu.memory_space<hbm>>
      tpu.wait_dma2 semaphore(%run_scoped3A : memref<!tpu.dma_semaphore, #tpu.memory_space<semaphore_mem>>) src(%dma_wait3A_82 : memref<128xi32, #tpu.memory_space<hbm>>) dst(%arg5 : memref<128xi32, #tpu.memory_space<vmem>>)
      tpu.yield
    }) : () -> ()
    %dma_start3A_33 = arith.constant 0 : i32
    %dma_start3A_34 = arith.constant 0 : i32
    %dma_start3A_35 = tpu.memref_slice %arg2[%dma_start3A_33, %dma_start3A_34] : memref<16384x128xf32, #tpu.memory_space<hbm>> -> memref<16384x128xf32, #tpu.memory_space<hbm>>
    tpu.enqueue_indirect_dma source(%dma_start3A_35 : memref<16384x128xf32, #tpu.memory_space<hbm>>) target(%arg6 : memref<128x128xf32, #tpu.memory_space<vmem>>) offsets(%arg5 : memref<128xi32, #tpu.memory_space<vmem>>) semaphore(%arg7 : memref<!tpu.dma_semaphore, #tpu.memory_space<semaphore_mem>>)
    %dma_wait3A_36 = arith.constant 0 : i32
    %dma_wait3A_37 = arith.constant 0 : i32
    %dma_wait3A_38 = tpu.memref_slice %arg2[%dma_wait3A_36, %dma_wait3A_37] : memref<16384x128xf32, #tpu.memory_space<hbm>> -> memref<16384x128xf32, #tpu.memory_space<hbm>>
    tpu.wait_indirect_dma semaphore(%arg7 : memref<!tpu.dma_semaphore, #tpu.memory_space<semaphore_mem>>) src(%dma_wait3A_38 : memref<16384x128xf32, #tpu.memory_space<hbm>>) dst(%arg6 : memref<128x128xf32, #tpu.memory_space<vmem>>)
    "tpu.region"() ({
      %run_scoped3A = tpu.sem_alloc : memref<!tpu.dma_semaphore, #tpu.memory_space<semaphore_mem>>
      %dma_start3A_79 = arith.constant 0 : i32
      %dma_start3A_80 = tpu.memref_slice %arg4[%add3A_32, %dma_start3A_79] : memref<32768x128xf32, #tpu.memory_space<hbm>> -> memref<128x128xf32, #tpu.memory_space<hbm>>
      %dma_start3A_81 = arith.constant 0 : i32
      %dma_start3A_82 = tpu.memref_slice %arg4[%add3A_32, %dma_start3A_81] : memref<32768x128xf32, #tpu.memory_space<hbm>> -> memref<128x128xf32, #tpu.memory_space<hbm>>
      tpu.enqueue_dma source(%arg6 : memref<128x128xf32, #tpu.memory_space<vmem>>) target(%dma_start3A_82 : memref<128x128xf32, #tpu.memory_space<hbm>>) target_semaphore(%run_scoped3A : memref<!tpu.dma_semaphore, #tpu.memory_space<semaphore_mem>>)
      %dma_wait3A_83 = arith.constant 0 : i32
      %dma_wait3A_84 = tpu.memref_slice %arg4[%add3A_32, %dma_wait3A_83] : memref<32768x128xf32, #tpu.memory_space<hbm>> -> memref<128x128xf32, #tpu.memory_space<hbm>>
      %dma_wait3A_85 = arith.constant 0 : i32
      %dma_wait3A_86 = tpu.memref_slice %arg4[%add3A_32, %dma_wait3A_85] : memref<32768x128xf32, #tpu.memory_space<hbm>> -> memref<128x128xf32, #tpu.memory_space<hbm>>
      tpu.wait_dma2 semaphore(%run_scoped3A : memref<!tpu.dma_semaphore, #tpu.memory_space<semaphore_mem>>) src(%arg6 : memref<128x128xf32, #tpu.memory_space<vmem>>) dst(%dma_wait3A_86 : memref<128x128xf32, #tpu.memory_space<hbm>>)
      tpu.yield
    }) : () -> ()
    %mul3A_39 = arith.constant 1024 : i32
    %mul3A_40 = arith.muli %add3A, %mul3A_39 : i32
    %add3A_41 = arith.constant 512 : i32
    %add3A_42 = arith.addi %mul3A_40, %add3A_41 : i32
    "tpu.region"() ({
      %run_scoped3A = tpu.sem_alloc : memref<!tpu.dma_semaphore, #tpu.memory_space<semaphore_mem>>
      %dma_start3A_79 = tpu.memref_slice %arg3[%add3A_42] : memref<32768xi32, #tpu.memory_space<hbm>> -> memref<128xi32, #tpu.memory_space<hbm>>
      %dma_start3A_80 = tpu.memref_slice %arg3[%add3A_42] : memref<32768xi32, #tpu.memory_space<hbm>> -> memref<128xi32, #tpu.memory_space<hbm>>
      tpu.enqueue_dma source(%dma_start3A_80 : memref<128xi32, #tpu.memory_space<hbm>>) target(%arg5 : memref<128xi32, #tpu.memory_space<vmem>>) target_semaphore(%run_scoped3A : memref<!tpu.dma_semaphore, #tpu.memory_space<semaphore_mem>>)
      %dma_wait3A_81 = tpu.memref_slice %arg3[%add3A_42] : memref<32768xi32, #tpu.memory_space<hbm>> -> memref<128xi32, #tpu.memory_space<hbm>>
      %dma_wait3A_82 = tpu.memref_slice %arg3[%add3A_42] : memref<32768xi32, #tpu.memory_space<hbm>> -> memref<128xi32, #tpu.memory_space<hbm>>
      tpu.wait_dma2 semaphore(%run_scoped3A : memref<!tpu.dma_semaphore, #tpu.memory_space<semaphore_mem>>) src(%dma_wait3A_82 : memref<128xi32, #tpu.memory_space<hbm>>) dst(%arg5 : memref<128xi32, #tpu.memory_space<vmem>>)
      tpu.yield
    }) : () -> ()
    %dma_start3A_43 = arith.constant 0 : i32
    %dma_start3A_44 = arith.constant 0 : i32
    %dma_start3A_45 = tpu.memref_slice %arg2[%dma_start3A_43, %dma_start3A_44] : memref<16384x128xf32, #tpu.memory_space<hbm>> -> memref<16384x128xf32, #tpu.memory_space<hbm>>
    tpu.enqueue_indirect_dma source(%dma_start3A_45 : memref<16384x128xf32, #tpu.memory_space<hbm>>) target(%arg6 : memref<128x128xf32, #tpu.memory_space<vmem>>) offsets(%arg5 : memref<128xi32, #tpu.memory_space<vmem>>) semaphore(%arg7 : memref<!tpu.dma_semaphore, #tpu.memory_space<semaphore_mem>>)
    %dma_wait3A_46 = arith.constant 0 : i32
    %dma_wait3A_47 = arith.constant 0 : i32
    %dma_wait3A_48 = tpu.memref_slice %arg2[%dma_wait3A_46, %dma_wait3A_47] : memref<16384x128xf32, #tpu.memory_space<hbm>> -> memref<16384x128xf32, #tpu.memory_space<hbm>>
    tpu.wait_indirect_dma semaphore(%arg7 : memref<!tpu.dma_semaphore, #tpu.memory_space<semaphore_mem>>) src(%dma_wait3A_48 : memref<16384x128xf32, #tpu.memory_space<hbm>>) dst(%arg6 : memref<128x128xf32, #tpu.memory_space<vmem>>)
    "tpu.region"() ({
      %run_scoped3A = tpu.sem_alloc : memref<!tpu.dma_semaphore, #tpu.memory_space<semaphore_mem>>
      %dma_start3A_79 = arith.constant 0 : i32
      %dma_start3A_80 = tpu.memref_slice %arg4[%add3A_42, %dma_start3A_79] : memref<32768x128xf32, #tpu.memory_space<hbm>> -> memref<128x128xf32, #tpu.memory_space<hbm>>
      %dma_start3A_81 = arith.constant 0 : i32
      %dma_start3A_82 = tpu.memref_slice %arg4[%add3A_42, %dma_start3A_81] : memref<32768x128xf32, #tpu.memory_space<hbm>> -> memref<128x128xf32, #tpu.memory_space<hbm>>
      tpu.enqueue_dma source(%arg6 : memref<128x128xf32, #tpu.memory_space<vmem>>) target(%dma_start3A_82 : memref<128x128xf32, #tpu.memory_space<hbm>>) target_semaphore(%run_scoped3A : memref<!tpu.dma_semaphore, #tpu.memory_space<semaphore_mem>>)
      %dma_wait3A_83 = arith.constant 0 : i32
      %dma_wait3A_84 = tpu.memref_slice %arg4[%add3A_42, %dma_wait3A_83] : memref<32768x128xf32, #tpu.memory_space<hbm>> -> memref<128x128xf32, #tpu.memory_space<hbm>>
      %dma_wait3A_85 = arith.constant 0 : i32
      %dma_wait3A_86 = tpu.memref_slice %arg4[%add3A_42, %dma_wait3A_85] : memref<32768x128xf32, #tpu.memory_space<hbm>> -> memref<128x128xf32, #tpu.memory_space<hbm>>
      tpu.wait_dma2 semaphore(%run_scoped3A : memref<!tpu.dma_semaphore, #tpu.memory_space<semaphore_mem>>) src(%arg6 : memref<128x128xf32, #tpu.memory_space<vmem>>) dst(%dma_wait3A_86 : memref<128x128xf32, #tpu.memory_space<hbm>>)
      tpu.yield
    }) : () -> ()
    %mul3A_49 = arith.constant 1024 : i32
    %mul3A_50 = arith.muli %add3A, %mul3A_49 : i32
    %add3A_51 = arith.constant 640 : i32
    %add3A_52 = arith.addi %mul3A_50, %add3A_51 : i32
    "tpu.region"() ({
      %run_scoped3A = tpu.sem_alloc : memref<!tpu.dma_semaphore, #tpu.memory_space<semaphore_mem>>
      %dma_start3A_79 = tpu.memref_slice %arg3[%add3A_52] : memref<32768xi32, #tpu.memory_space<hbm>> -> memref<128xi32, #tpu.memory_space<hbm>>
      %dma_start3A_80 = tpu.memref_slice %arg3[%add3A_52] : memref<32768xi32, #tpu.memory_space<hbm>> -> memref<128xi32, #tpu.memory_space<hbm>>
      tpu.enqueue_dma source(%dma_start3A_80 : memref<128xi32, #tpu.memory_space<hbm>>) target(%arg5 : memref<128xi32, #tpu.memory_space<vmem>>) target_semaphore(%run_scoped3A : memref<!tpu.dma_semaphore, #tpu.memory_space<semaphore_mem>>)
      %dma_wait3A_81 = tpu.memref_slice %arg3[%add3A_52] : memref<32768xi32, #tpu.memory_space<hbm>> -> memref<128xi32, #tpu.memory_space<hbm>>
      %dma_wait3A_82 = tpu.memref_slice %arg3[%add3A_52] : memref<32768xi32, #tpu.memory_space<hbm>> -> memref<128xi32, #tpu.memory_space<hbm>>
      tpu.wait_dma2 semaphore(%run_scoped3A : memref<!tpu.dma_semaphore, #tpu.memory_space<semaphore_mem>>) src(%dma_wait3A_82 : memref<128xi32, #tpu.memory_space<hbm>>) dst(%arg5 : memref<128xi32, #tpu.memory_space<vmem>>)
      tpu.yield
    }) : () -> ()
    %dma_start3A_53 = arith.constant 0 : i32
    %dma_start3A_54 = arith.constant 0 : i32
    %dma_start3A_55 = tpu.memref_slice %arg2[%dma_start3A_53, %dma_start3A_54] : memref<16384x128xf32, #tpu.memory_space<hbm>> -> memref<16384x128xf32, #tpu.memory_space<hbm>>
    tpu.enqueue_indirect_dma source(%dma_start3A_55 : memref<16384x128xf32, #tpu.memory_space<hbm>>) target(%arg6 : memref<128x128xf32, #tpu.memory_space<vmem>>) offsets(%arg5 : memref<128xi32, #tpu.memory_space<vmem>>) semaphore(%arg7 : memref<!tpu.dma_semaphore, #tpu.memory_space<semaphore_mem>>)
    %dma_wait3A_56 = arith.constant 0 : i32
    %dma_wait3A_57 = arith.constant 0 : i32
    %dma_wait3A_58 = tpu.memref_slice %arg2[%dma_wait3A_56, %dma_wait3A_57] : memref<16384x128xf32, #tpu.memory_space<hbm>> -> memref<16384x128xf32, #tpu.memory_space<hbm>>
    tpu.wait_indirect_dma semaphore(%arg7 : memref<!tpu.dma_semaphore, #tpu.memory_space<semaphore_mem>>) src(%dma_wait3A_58 : memref<16384x128xf32, #tpu.memory_space<hbm>>) dst(%arg6 : memref<128x128xf32, #tpu.memory_space<vmem>>)
    "tpu.region"() ({
      %run_scoped3A = tpu.sem_alloc : memref<!tpu.dma_semaphore, #tpu.memory_space<semaphore_mem>>
      %dma_start3A_79 = arith.constant 0 : i32
      %dma_start3A_80 = tpu.memref_slice %arg4[%add3A_52, %dma_start3A_79] : memref<32768x128xf32, #tpu.memory_space<hbm>> -> memref<128x128xf32, #tpu.memory_space<hbm>>
      %dma_start3A_81 = arith.constant 0 : i32
      %dma_start3A_82 = tpu.memref_slice %arg4[%add3A_52, %dma_start3A_81] : memref<32768x128xf32, #tpu.memory_space<hbm>> -> memref<128x128xf32, #tpu.memory_space<hbm>>
      tpu.enqueue_dma source(%arg6 : memref<128x128xf32, #tpu.memory_space<vmem>>) target(%dma_start3A_82 : memref<128x128xf32, #tpu.memory_space<hbm>>) target_semaphore(%run_scoped3A : memref<!tpu.dma_semaphore, #tpu.memory_space<semaphore_mem>>)
      %dma_wait3A_83 = arith.constant 0 : i32
      %dma_wait3A_84 = tpu.memref_slice %arg4[%add3A_52, %dma_wait3A_83] : memref<32768x128xf32, #tpu.memory_space<hbm>> -> memref<128x128xf32, #tpu.memory_space<hbm>>
      %dma_wait3A_85 = arith.constant 0 : i32
      %dma_wait3A_86 = tpu.memref_slice %arg4[%add3A_52, %dma_wait3A_85] : memref<32768x128xf32, #tpu.memory_space<hbm>> -> memref<128x128xf32, #tpu.memory_space<hbm>>
      tpu.wait_dma2 semaphore(%run_scoped3A : memref<!tpu.dma_semaphore, #tpu.memory_space<semaphore_mem>>) src(%arg6 : memref<128x128xf32, #tpu.memory_space<vmem>>) dst(%dma_wait3A_86 : memref<128x128xf32, #tpu.memory_space<hbm>>)
      tpu.yield
    }) : () -> ()
    %mul3A_59 = arith.constant 1024 : i32
    %mul3A_60 = arith.muli %add3A, %mul3A_59 : i32
    %add3A_61 = arith.constant 768 : i32
    %add3A_62 = arith.addi %mul3A_60, %add3A_61 : i32
    "tpu.region"() ({
      %run_scoped3A = tpu.sem_alloc : memref<!tpu.dma_semaphore, #tpu.memory_space<semaphore_mem>>
      %dma_start3A_79 = tpu.memref_slice %arg3[%add3A_62] : memref<32768xi32, #tpu.memory_space<hbm>> -> memref<128xi32, #tpu.memory_space<hbm>>
      %dma_start3A_80 = tpu.memref_slice %arg3[%add3A_62] : memref<32768xi32, #tpu.memory_space<hbm>> -> memref<128xi32, #tpu.memory_space<hbm>>
      tpu.enqueue_dma source(%dma_start3A_80 : memref<128xi32, #tpu.memory_space<hbm>>) target(%arg5 : memref<128xi32, #tpu.memory_space<vmem>>) target_semaphore(%run_scoped3A : memref<!tpu.dma_semaphore, #tpu.memory_space<semaphore_mem>>)
      %dma_wait3A_81 = tpu.memref_slice %arg3[%add3A_62] : memref<32768xi32, #tpu.memory_space<hbm>> -> memref<128xi32, #tpu.memory_space<hbm>>
      %dma_wait3A_82 = tpu.memref_slice %arg3[%add3A_62] : memref<32768xi32, #tpu.memory_space<hbm>> -> memref<128xi32, #tpu.memory_space<hbm>>
      tpu.wait_dma2 semaphore(%run_scoped3A : memref<!tpu.dma_semaphore, #tpu.memory_space<semaphore_mem>>) src(%dma_wait3A_82 : memref<128xi32, #tpu.memory_space<hbm>>) dst(%arg5 : memref<128xi32, #tpu.memory_space<vmem>>)
      tpu.yield
    }) : () -> ()
    %dma_start3A_63 = arith.constant 0 : i32
    %dma_start3A_64 = arith.constant 0 : i32
    %dma_start3A_65 = tpu.memref_slice %arg2[%dma_start3A_63, %dma_start3A_64] : memref<16384x128xf32, #tpu.memory_space<hbm>> -> memref<16384x128xf32, #tpu.memory_space<hbm>>
    tpu.enqueue_indirect_dma source(%dma_start3A_65 : memref<16384x128xf32, #tpu.memory_space<hbm>>) target(%arg6 : memref<128x128xf32, #tpu.memory_space<vmem>>) offsets(%arg5 : memref<128xi32, #tpu.memory_space<vmem>>) semaphore(%arg7 : memref<!tpu.dma_semaphore, #tpu.memory_space<semaphore_mem>>)
    %dma_wait3A_66 = arith.constant 0 : i32
    %dma_wait3A_67 = arith.constant 0 : i32
    %dma_wait3A_68 = tpu.memref_slice %arg2[%dma_wait3A_66, %dma_wait3A_67] : memref<16384x128xf32, #tpu.memory_space<hbm>> -> memref<16384x128xf32, #tpu.memory_space<hbm>>
    tpu.wait_indirect_dma semaphore(%arg7 : memref<!tpu.dma_semaphore, #tpu.memory_space<semaphore_mem>>) src(%dma_wait3A_68 : memref<16384x128xf32, #tpu.memory_space<hbm>>) dst(%arg6 : memref<128x128xf32, #tpu.memory_space<vmem>>)
    "tpu.region"() ({
      %run_scoped3A = tpu.sem_alloc : memref<!tpu.dma_semaphore, #tpu.memory_space<semaphore_mem>>
      %dma_start3A_79 = arith.constant 0 : i32
      %dma_start3A_80 = tpu.memref_slice %arg4[%add3A_62, %dma_start3A_79] : memref<32768x128xf32, #tpu.memory_space<hbm>> -> memref<128x128xf32, #tpu.memory_space<hbm>>
      %dma_start3A_81 = arith.constant 0 : i32
      %dma_start3A_82 = tpu.memref_slice %arg4[%add3A_62, %dma_start3A_81] : memref<32768x128xf32, #tpu.memory_space<hbm>> -> memref<128x128xf32, #tpu.memory_space<hbm>>
      tpu.enqueue_dma source(%arg6 : memref<128x128xf32, #tpu.memory_space<vmem>>) target(%dma_start3A_82 : memref<128x128xf32, #tpu.memory_space<hbm>>) target_semaphore(%run_scoped3A : memref<!tpu.dma_semaphore, #tpu.memory_space<semaphore_mem>>)
      %dma_wait3A_83 = arith.constant 0 : i32
      %dma_wait3A_84 = tpu.memref_slice %arg4[%add3A_62, %dma_wait3A_83] : memref<32768x128xf32, #tpu.memory_space<hbm>> -> memref<128x128xf32, #tpu.memory_space<hbm>>
      %dma_wait3A_85 = arith.constant 0 : i32
      %dma_wait3A_86 = tpu.memref_slice %arg4[%add3A_62, %dma_wait3A_85] : memref<32768x128xf32, #tpu.memory_space<hbm>> -> memref<128x128xf32, #tpu.memory_space<hbm>>
      tpu.wait_dma2 semaphore(%run_scoped3A : memref<!tpu.dma_semaphore, #tpu.memory_space<semaphore_mem>>) src(%arg6 : memref<128x128xf32, #tpu.memory_space<vmem>>) dst(%dma_wait3A_86 : memref<128x128xf32, #tpu.memory_space<hbm>>)
      tpu.yield
    }) : () -> ()
    %mul3A_69 = arith.constant 1024 : i32
    %mul3A_70 = arith.muli %add3A, %mul3A_69 : i32
    %add3A_71 = arith.constant 896 : i32
    %add3A_72 = arith.addi %mul3A_70, %add3A_71 : i32
    "tpu.region"() ({
      %run_scoped3A = tpu.sem_alloc : memref<!tpu.dma_semaphore, #tpu.memory_space<semaphore_mem>>
      %dma_start3A_79 = tpu.memref_slice %arg3[%add3A_72] : memref<32768xi32, #tpu.memory_space<hbm>> -> memref<128xi32, #tpu.memory_space<hbm>>
      %dma_start3A_80 = tpu.memref_slice %arg3[%add3A_72] : memref<32768xi32, #tpu.memory_space<hbm>> -> memref<128xi32, #tpu.memory_space<hbm>>
      tpu.enqueue_dma source(%dma_start3A_80 : memref<128xi32, #tpu.memory_space<hbm>>) target(%arg5 : memref<128xi32, #tpu.memory_space<vmem>>) target_semaphore(%run_scoped3A : memref<!tpu.dma_semaphore, #tpu.memory_space<semaphore_mem>>)
      %dma_wait3A_81 = tpu.memref_slice %arg3[%add3A_72] : memref<32768xi32, #tpu.memory_space<hbm>> -> memref<128xi32, #tpu.memory_space<hbm>>
      %dma_wait3A_82 = tpu.memref_slice %arg3[%add3A_72] : memref<32768xi32, #tpu.memory_space<hbm>> -> memref<128xi32, #tpu.memory_space<hbm>>
      tpu.wait_dma2 semaphore(%run_scoped3A : memref<!tpu.dma_semaphore, #tpu.memory_space<semaphore_mem>>) src(%dma_wait3A_82 : memref<128xi32, #tpu.memory_space<hbm>>) dst(%arg5 : memref<128xi32, #tpu.memory_space<vmem>>)
      tpu.yield
    }) : () -> ()
    %dma_start3A_73 = arith.constant 0 : i32
    %dma_start3A_74 = arith.constant 0 : i32
    %dma_start3A_75 = tpu.memref_slice %arg2[%dma_start3A_73, %dma_start3A_74] : memref<16384x128xf32, #tpu.memory_space<hbm>> -> memref<16384x128xf32, #tpu.memory_space<hbm>>
    tpu.enqueue_indirect_dma source(%dma_start3A_75 : memref<16384x128xf32, #tpu.memory_space<hbm>>) target(%arg6 : memref<128x128xf32, #tpu.memory_space<vmem>>) offsets(%arg5 : memref<128xi32, #tpu.memory_space<vmem>>) semaphore(%arg7 : memref<!tpu.dma_semaphore, #tpu.memory_space<semaphore_mem>>)
    %dma_wait3A_76 = arith.constant 0 : i32
    %dma_wait3A_77 = arith.constant 0 : i32
    %dma_wait3A_78 = tpu.memref_slice %arg2[%dma_wait3A_76, %dma_wait3A_77] : memref<16384x128xf32, #tpu.memory_space<hbm>> -> memref<16384x128xf32, #tpu.memory_space<hbm>>
    tpu.wait_indirect_dma semaphore(%arg7 : memref<!tpu.dma_semaphore, #tpu.memory_space<semaphore_mem>>) src(%dma_wait3A_78 : memref<16384x128xf32, #tpu.memory_space<hbm>>) dst(%arg6 : memref<128x128xf32, #tpu.memory_space<vmem>>)
    "tpu.region"() ({
      %run_scoped3A = tpu.sem_alloc : memref<!tpu.dma_semaphore, #tpu.memory_space<semaphore_mem>>
      %dma_start3A_79 = arith.constant 0 : i32
      %dma_start3A_80 = tpu.memref_slice %arg4[%add3A_72, %dma_start3A_79] : memref<32768x128xf32, #tpu.memory_space<hbm>> -> memref<128x128xf32, #tpu.memory_space<hbm>>
      %dma_start3A_81 = arith.constant 0 : i32
      %dma_start3A_82 = tpu.memref_slice %arg4[%add3A_72, %dma_start3A_81] : memref<32768x128xf32, #tpu.memory_space<hbm>> -> memref<128x128xf32, #tpu.memory_space<hbm>>
      tpu.enqueue_dma source(%arg6 : memref<128x128xf32, #tpu.memory_space<vmem>>) target(%dma_start3A_82 : memref<128x128xf32, #tpu.memory_space<hbm>>) target_semaphore(%run_scoped3A : memref<!tpu.dma_semaphore, #tpu.memory_space<semaphore_mem>>)
      %dma_wait3A_83 = arith.constant 0 : i32
      %dma_wait3A_84 = tpu.memref_slice %arg4[%add3A_72, %dma_wait3A_83] : memref<32768x128xf32, #tpu.memory_space<hbm>> -> memref<128x128xf32, #tpu.memory_space<hbm>>
      %dma_wait3A_85 = arith.constant 0 : i32
      %dma_wait3A_86 = tpu.memref_slice %arg4[%add3A_72, %dma_wait3A_85] : memref<32768x128xf32, #tpu.memory_space<hbm>> -> memref<128x128xf32, #tpu.memory_space<hbm>>
      tpu.wait_dma2 semaphore(%run_scoped3A : memref<!tpu.dma_semaphore, #tpu.memory_space<semaphore_mem>>) src(%arg6 : memref<128x128xf32, #tpu.memory_space<vmem>>) dst(%dma_wait3A_86 : memref<128x128xf32, #tpu.memory_space<hbm>>)
      tpu.yield
    }) : () -> ()
    return
  }
}

#map = affine_map<(d0, d1) -> (0, 0)>
#map1 = affine_map<(d0, d1) -> (0)>
module attributes {stable_mosaic.version = 14 : i64} {
  func.func @gk(%arg0: i32, %arg1: i32, %arg2: memref<16384x128xf32, #tpu.memory_space<hbm>>, %arg3: memref<32768xi32, #tpu.memory_space<hbm>>, %arg4: memref<32768x128xf32, #tpu.memory_space<hbm>>, %arg5: memref<128xi32, #tpu.memory_space<vmem>>, %arg6: memref<128x128xf32, #tpu.memory_space<vmem>>, %arg7: memref<!tpu.dma_semaphore, #tpu.memory_space<semaphore_mem>>) attributes {dimension_semantics = [#tpu.dimension_semantics<core_parallel>, #tpu.dimension_semantics<subcore_parallel>], iteration_bounds = array<i64: 2, 16>, scalar_prefetch = 0 : i64, scratch_operands = 3 : i64, tpu.core_type = #tpu.core_type<sc_vector_subcore>, window_params = [{transform_indices = #map}, {transform_indices = #map1}, {transform_indices = #map}]} {
    %mul3A = arith.constant 2 : i32
    %mul3A_0 = arith.muli %arg1, %mul3A : i32
    %add3A = arith.addi %mul3A_0, %arg0 : i32
    %mul3A_1 = arith.constant 1024 : i32
    %mul3A_2 = arith.muli %add3A, %mul3A_1 : i32
    %add3A_3 = arith.constant 0 : i32
    %add3A_4 = arith.addi %mul3A_2, %add3A_3 : i32
    "tpu.region"() ({
      %run_scoped3A = tpu.sem_alloc : memref<!tpu.dma_semaphore, #tpu.memory_space<semaphore_mem>>
      %dma_start3A_79 = tpu.memref_slice %arg3[%add3A_4] : memref<32768xi32, #tpu.memory_space<hbm>> -> memref<128xi32, #tpu.memory_space<hbm>>
      %dma_start3A_80 = tpu.memref_slice %arg3[%add3A_4] : memref<32768xi32, #tpu.memory_space<hbm>> -> memref<128xi32, #tpu.memory_space<hbm>>
      tpu.enqueue_dma source(%dma_start3A_80 : memref<128xi32, #tpu.memory_space<hbm>>) target(%arg5 : memref<128xi32, #tpu.memory_space<vmem>>) target_semaphore(%run_scoped3A : memref<!tpu.dma_semaphore, #tpu.memory_space<semaphore_mem>>)
      %dma_wait3A_81 = tpu.memref_slice %arg3[%add3A_4] : memref<32768xi32, #tpu.memory_space<hbm>> -> memref<128xi32, #tpu.memory_space<hbm>>
      %dma_wait3A_82 = tpu.memref_slice %arg3[%add3A_4] : memref<32768xi32, #tpu.memory_space<hbm>> -> memref<128xi32, #tpu.memory_space<hbm>>
      tpu.wait_dma2 semaphore(%run_scoped3A : memref<!tpu.dma_semaphore, #tpu.memory_space<semaphore_mem>>) src(%dma_wait3A_82 : memref<128xi32, #tpu.memory_space<hbm>>) dst(%arg5 : memref<128xi32, #tpu.memory_space<vmem>>)
      tpu.yield
    }) : () -> ()
    %dma_start3A = arith.constant 0 : i32
    %dma_start3A_5 = arith.constant 0 : i32
    %dma_start3A_6 = tpu.memref_slice %arg2[%dma_start3A, %dma_start3A_5] : memref<16384x128xf32, #tpu.memory_space<hbm>> -> memref<16384x128xf32, #tpu.memory_space<hbm>>
    tpu.enqueue_indirect_dma source(%dma_start3A_6 : memref<16384x128xf32, #tpu.memory_space<hbm>>) target(%arg6 : memref<128x128xf32, #tpu.memory_space<vmem>>) offsets(%arg5 : memref<128xi32, #tpu.memory_space<vmem>>) semaphore(%arg7 : memref<!tpu.dma_semaphore, #tpu.memory_space<semaphore_mem>>)
    %dma_wait3A = arith.constant 0 : i32
    %dma_wait3A_7 = arith.constant 0 : i32
    %dma_wait3A_8 = tpu.memref_slice %arg2[%dma_wait3A, %dma_wait3A_7] : memref<16384x128xf32, #tpu.memory_space<hbm>> -> memref<16384x128xf32, #tpu.memory_space<hbm>>
    tpu.wait_indirect_dma semaphore(%arg7 : memref<!tpu.dma_semaphore, #tpu.memory_space<semaphore_mem>>) src(%dma_wait3A_8 : memref<16384x128xf32, #tpu.memory_space<hbm>>) dst(%arg6 : memref<128x128xf32, #tpu.memory_space<vmem>>)
    "tpu.region"() ({
      %run_scoped3A = tpu.sem_alloc : memref<!tpu.dma_semaphore, #tpu.memory_space<semaphore_mem>>
      %dma_start3A_79 = arith.constant 0 : i32
      %dma_start3A_80 = tpu.memref_slice %arg4[%add3A_4, %dma_start3A_79] : memref<32768x128xf32, #tpu.memory_space<hbm>> -> memref<128x128xf32, #tpu.memory_space<hbm>>
      %dma_start3A_81 = arith.constant 0 : i32
      %dma_start3A_82 = tpu.memref_slice %arg4[%add3A_4, %dma_start3A_81] : memref<32768x128xf32, #tpu.memory_space<hbm>> -> memref<128x128xf32, #tpu.memory_space<hbm>>
      tpu.enqueue_dma source(%arg6 : memref<128x128xf32, #tpu.memory_space<vmem>>) target(%dma_start3A_82 : memref<128x128xf32, #tpu.memory_space<hbm>>) target_semaphore(%run_scoped3A : memref<!tpu.dma_semaphore, #tpu.memory_space<semaphore_mem>>)
      %dma_wait3A_83 = arith.constant 0 : i32
      %dma_wait3A_84 = tpu.memref_slice %arg4[%add3A_4, %dma_wait3A_83] : memref<32768x128xf32, #tpu.memory_space<hbm>> -> memref<128x128xf32, #tpu.memory_space<hbm>>
      %dma_wait3A_85 = arith.constant 0 : i32
      %dma_wait3A_86 = tpu.memref_slice %arg4[%add3A_4, %dma_wait3A_85] : memref<32768x128xf32, #tpu.memory_space<hbm>> -> memref<128x128xf32, #tpu.memory_space<hbm>>
      tpu.wait_dma2 semaphore(%run_scoped3A : memref<!tpu.dma_semaphore, #tpu.memory_space<semaphore_mem>>) src(%arg6 : memref<128x128xf32, #tpu.memory_space<vmem>>) dst(%dma_wait3A_86 : memref<128x128xf32, #tpu.memory_space<hbm>>)
      tpu.yield
    }) : () -> ()
    %mul3A_9 = arith.constant 1024 : i32
    %mul3A_10 = arith.muli %add3A, %mul3A_9 : i32
    %add3A_11 = arith.constant 128 : i32
    %add3A_12 = arith.addi %mul3A_10, %add3A_11 : i32
    "tpu.region"() ({
      %run_scoped3A = tpu.sem_alloc : memref<!tpu.dma_semaphore, #tpu.memory_space<semaphore_mem>>
      %dma_start3A_79 = tpu.memref_slice %arg3[%add3A_12] : memref<32768xi32, #tpu.memory_space<hbm>> -> memref<128xi32, #tpu.memory_space<hbm>>
      %dma_start3A_80 = tpu.memref_slice %arg3[%add3A_12] : memref<32768xi32, #tpu.memory_space<hbm>> -> memref<128xi32, #tpu.memory_space<hbm>>
      tpu.enqueue_dma source(%dma_start3A_80 : memref<128xi32, #tpu.memory_space<hbm>>) target(%arg5 : memref<128xi32, #tpu.memory_space<vmem>>) target_semaphore(%run_scoped3A : memref<!tpu.dma_semaphore, #tpu.memory_space<semaphore_mem>>)
      %dma_wait3A_81 = tpu.memref_slice %arg3[%add3A_12] : memref<32768xi32, #tpu.memory_space<hbm>> -> memref<128xi32, #tpu.memory_space<hbm>>
      %dma_wait3A_82 = tpu.memref_slice %arg3[%add3A_12] : memref<32768xi32, #tpu.memory_space<hbm>> -> memref<128xi32, #tpu.memory_space<hbm>>
      tpu.wait_dma2 semaphore(%run_scoped3A : memref<!tpu.dma_semaphore, #tpu.memory_space<semaphore_mem>>) src(%dma_wait3A_82 : memref<128xi32, #tpu.memory_space<hbm>>) dst(%arg5 : memref<128xi32, #tpu.memory_space<vmem>>)
      tpu.yield
    }) : () -> ()
    %dma_start3A_13 = arith.constant 0 : i32
    %dma_start3A_14 = arith.constant 0 : i32
    %dma_start3A_15 = tpu.memref_slice %arg2[%dma_start3A_13, %dma_start3A_14] : memref<16384x128xf32, #tpu.memory_space<hbm>> -> memref<16384x128xf32, #tpu.memory_space<hbm>>
    tpu.enqueue_indirect_dma source(%dma_start3A_15 : memref<16384x128xf32, #tpu.memory_space<hbm>>) target(%arg6 : memref<128x128xf32, #tpu.memory_space<vmem>>) offsets(%arg5 : memref<128xi32, #tpu.memory_space<vmem>>) semaphore(%arg7 : memref<!tpu.dma_semaphore, #tpu.memory_space<semaphore_mem>>)
    %dma_wait3A_16 = arith.constant 0 : i32
    %dma_wait3A_17 = arith.constant 0 : i32
    %dma_wait3A_18 = tpu.memref_slice %arg2[%dma_wait3A_16, %dma_wait3A_17] : memref<16384x128xf32, #tpu.memory_space<hbm>> -> memref<16384x128xf32, #tpu.memory_space<hbm>>
    tpu.wait_indirect_dma semaphore(%arg7 : memref<!tpu.dma_semaphore, #tpu.memory_space<semaphore_mem>>) src(%dma_wait3A_18 : memref<16384x128xf32, #tpu.memory_space<hbm>>) dst(%arg6 : memref<128x128xf32, #tpu.memory_space<vmem>>)
    "tpu.region"() ({
      %run_scoped3A = tpu.sem_alloc : memref<!tpu.dma_semaphore, #tpu.memory_space<semaphore_mem>>
      %dma_start3A_79 = arith.constant 0 : i32
      %dma_start3A_80 = tpu.memref_slice %arg4[%add3A_12, %dma_start3A_79] : memref<32768x128xf32, #tpu.memory_space<hbm>> -> memref<128x128xf32, #tpu.memory_space<hbm>>
      %dma_start3A_81 = arith.constant 0 : i32
      %dma_start3A_82 = tpu.memref_slice %arg4[%add3A_12, %dma_start3A_81] : memref<32768x128xf32, #tpu.memory_space<hbm>> -> memref<128x128xf32, #tpu.memory_space<hbm>>
      tpu.enqueue_dma source(%arg6 : memref<128x128xf32, #tpu.memory_space<vmem>>) target(%dma_start3A_82 : memref<128x128xf32, #tpu.memory_space<hbm>>) target_semaphore(%run_scoped3A : memref<!tpu.dma_semaphore, #tpu.memory_space<semaphore_mem>>)
      %dma_wait3A_83 = arith.constant 0 : i32
      %dma_wait3A_84 = tpu.memref_slice %arg4[%add3A_12, %dma_wait3A_83] : memref<32768x128xf32, #tpu.memory_space<hbm>> -> memref<128x128xf32, #tpu.memory_space<hbm>>
      %dma_wait3A_85 = arith.constant 0 : i32
      %dma_wait3A_86 = tpu.memref_slice %arg4[%add3A_12, %dma_wait3A_85] : memref<32768x128xf32, #tpu.memory_space<hbm>> -> memref<128x128xf32, #tpu.memory_space<hbm>>
      tpu.wait_dma2 semaphore(%run_scoped3A : memref<!tpu.dma_semaphore, #tpu.memory_space<semaphore_mem>>) src(%arg6 : memref<128x128xf32, #tpu.memory_space<vmem>>) dst(%dma_wait3A_86 : memref<128x128xf32, #tpu.memory_space<hbm>>)
      tpu.yield
    }) : () -> ()
    %mul3A_19 = arith.constant 1024 : i32
    %mul3A_20 = arith.muli %add3A, %mul3A_19 : i32
    %add3A_21 = arith.constant 256 : i32
    %add3A_22 = arith.addi %mul3A_20, %add3A_21 : i32
    "tpu.region"() ({
      %run_scoped3A = tpu.sem_alloc : memref<!tpu.dma_semaphore, #tpu.memory_space<semaphore_mem>>
      %dma_start3A_79 = tpu.memref_slice %arg3[%add3A_22] : memref<32768xi32, #tpu.memory_space<hbm>> -> memref<128xi32, #tpu.memory_space<hbm>>
      %dma_start3A_80 = tpu.memref_slice %arg3[%add3A_22] : memref<32768xi32, #tpu.memory_space<hbm>> -> memref<128xi32, #tpu.memory_space<hbm>>
      tpu.enqueue_dma source(%dma_start3A_80 : memref<128xi32, #tpu.memory_space<hbm>>) target(%arg5 : memref<128xi32, #tpu.memory_space<vmem>>) target_semaphore(%run_scoped3A : memref<!tpu.dma_semaphore, #tpu.memory_space<semaphore_mem>>)
      %dma_wait3A_81 = tpu.memref_slice %arg3[%add3A_22] : memref<32768xi32, #tpu.memory_space<hbm>> -> memref<128xi32, #tpu.memory_space<hbm>>
      %dma_wait3A_82 = tpu.memref_slice %arg3[%add3A_22] : memref<32768xi32, #tpu.memory_space<hbm>> -> memref<128xi32, #tpu.memory_space<hbm>>
      tpu.wait_dma2 semaphore(%run_scoped3A : memref<!tpu.dma_semaphore, #tpu.memory_space<semaphore_mem>>) src(%dma_wait3A_82 : memref<128xi32, #tpu.memory_space<hbm>>) dst(%arg5 : memref<128xi32, #tpu.memory_space<vmem>>)
      tpu.yield
    }) : () -> ()
    %dma_start3A_23 = arith.constant 0 : i32
    %dma_start3A_24 = arith.constant 0 : i32
    %dma_start3A_25 = tpu.memref_slice %arg2[%dma_start3A_23, %dma_start3A_24] : memref<16384x128xf32, #tpu.memory_space<hbm>> -> memref<16384x128xf32, #tpu.memory_space<hbm>>
    tpu.enqueue_indirect_dma source(%dma_start3A_25 : memref<16384x128xf32, #tpu.memory_space<hbm>>) target(%arg6 : memref<128x128xf32, #tpu.memory_space<vmem>>) offsets(%arg5 : memref<128xi32, #tpu.memory_space<vmem>>) semaphore(%arg7 : memref<!tpu.dma_semaphore, #tpu.memory_space<semaphore_mem>>)
    %dma_wait3A_26 = arith.constant 0 : i32
    %dma_wait3A_27 = arith.constant 0 : i32
    %dma_wait3A_28 = tpu.memref_slice %arg2[%dma_wait3A_26, %dma_wait3A_27] : memref<16384x128xf32, #tpu.memory_space<hbm>> -> memref<16384x128xf32, #tpu.memory_space<hbm>>
    tpu.wait_indirect_dma semaphore(%arg7 : memref<!tpu.dma_semaphore, #tpu.memory_space<semaphore_mem>>) src(%dma_wait3A_28 : memref<16384x128xf32, #tpu.memory_space<hbm>>) dst(%arg6 : memref<128x128xf32, #tpu.memory_space<vmem>>)
    "tpu.region"() ({
      %run_scoped3A = tpu.sem_alloc : memref<!tpu.dma_semaphore, #tpu.memory_space<semaphore_mem>>
      %dma_start3A_79 = arith.constant 0 : i32
      %dma_start3A_80 = tpu.memref_slice %arg4[%add3A_22, %dma_start3A_79] : memref<32768x128xf32, #tpu.memory_space<hbm>> -> memref<128x128xf32, #tpu.memory_space<hbm>>
      %dma_start3A_81 = arith.constant 0 : i32
      %dma_start3A_82 = tpu.memref_slice %arg4[%add3A_22, %dma_start3A_81] : memref<32768x128xf32, #tpu.memory_space<hbm>> -> memref<128x128xf32, #tpu.memory_space<hbm>>
      tpu.enqueue_dma source(%arg6 : memref<128x128xf32, #tpu.memory_space<vmem>>) target(%dma_start3A_82 : memref<128x128xf32, #tpu.memory_space<hbm>>) target_semaphore(%run_scoped3A : memref<!tpu.dma_semaphore, #tpu.memory_space<semaphore_mem>>)
      %dma_wait3A_83 = arith.constant 0 : i32
      %dma_wait3A_84 = tpu.memref_slice %arg4[%add3A_22, %dma_wait3A_83] : memref<32768x128xf32, #tpu.memory_space<hbm>> -> memref<128x128xf32, #tpu.memory_space<hbm>>
      %dma_wait3A_85 = arith.constant 0 : i32
      %dma_wait3A_86 = tpu.memref_slice %arg4[%add3A_22, %dma_wait3A_85] : memref<32768x128xf32, #tpu.memory_space<hbm>> -> memref<128x128xf32, #tpu.memory_space<hbm>>
      tpu.wait_dma2 semaphore(%run_scoped3A : memref<!tpu.dma_semaphore, #tpu.memory_space<semaphore_mem>>) src(%arg6 : memref<128x128xf32, #tpu.memory_space<vmem>>) dst(%dma_wait3A_86 : memref<128x128xf32, #tpu.memory_space<hbm>>)
      tpu.yield
    }) : () -> ()
    %mul3A_29 = arith.constant 1024 : i32
    %mul3A_30 = arith.muli %add3A, %mul3A_29 : i32
    %add3A_31 = arith.constant 384 : i32
    %add3A_32 = arith.addi %mul3A_30, %add3A_31 : i32
    "tpu.region"() ({
      %run_scoped3A = tpu.sem_alloc : memref<!tpu.dma_semaphore, #tpu.memory_space<semaphore_mem>>
      %dma_start3A_79 = tpu.memref_slice %arg3[%add3A_32] : memref<32768xi32, #tpu.memory_space<hbm>> -> memref<128xi32, #tpu.memory_space<hbm>>
      %dma_start3A_80 = tpu.memref_slice %arg3[%add3A_32] : memref<32768xi32, #tpu.memory_space<hbm>> -> memref<128xi32, #tpu.memory_space<hbm>>
      tpu.enqueue_dma source(%dma_start3A_80 : memref<128xi32, #tpu.memory_space<hbm>>) target(%arg5 : memref<128xi32, #tpu.memory_space<vmem>>) target_semaphore(%run_scoped3A : memref<!tpu.dma_semaphore, #tpu.memory_space<semaphore_mem>>)
      %dma_wait3A_81 = tpu.memref_slice %arg3[%add3A_32] : memref<32768xi32, #tpu.memory_space<hbm>> -> memref<128xi32, #tpu.memory_space<hbm>>
      %dma_wait3A_82 = tpu.memref_slice %arg3[%add3A_32] : memref<32768xi32, #tpu.memory_space<hbm>> -> memref<128xi32, #tpu.memory_space<hbm>>
      tpu.wait_dma2 semaphore(%run_scoped3A : memref<!tpu.dma_semaphore, #tpu.memory_space<semaphore_mem>>) src(%dma_wait3A_82 : memref<128xi32, #tpu.memory_space<hbm>>) dst(%arg5 : memref<128xi32, #tpu.memory_space<vmem>>)
      tpu.yield
    }) : () -> ()
    %dma_start3A_33 = arith.constant 0 : i32
    %dma_start3A_34 = arith.constant 0 : i32
    %dma_start3A_35 = tpu.memref_slice %arg2[%dma_start3A_33, %dma_start3A_34] : memref<16384x128xf32, #tpu.memory_space<hbm>> -> memref<16384x128xf32, #tpu.memory_space<hbm>>
    tpu.enqueue_indirect_dma source(%dma_start3A_35 : memref<16384x128xf32, #tpu.memory_space<hbm>>) target(%arg6 : memref<128x128xf32, #tpu.memory_space<vmem>>) offsets(%arg5 : memref<128xi32, #tpu.memory_space<vmem>>) semaphore(%arg7 : memref<!tpu.dma_semaphore, #tpu.memory_space<semaphore_mem>>)
    %dma_wait3A_36 = arith.constant 0 : i32
    %dma_wait3A_37 = arith.constant 0 : i32
    %dma_wait3A_38 = tpu.memref_slice %arg2[%dma_wait3A_36, %dma_wait3A_37] : memref<16384x128xf32, #tpu.memory_space<hbm>> -> memref<16384x128xf32, #tpu.memory_space<hbm>>
    tpu.wait_indirect_dma semaphore(%arg7 : memref<!tpu.dma_semaphore, #tpu.memory_space<semaphore_mem>>) src(%dma_wait3A_38 : memref<16384x128xf32, #tpu.memory_space<hbm>>) dst(%arg6 : memref<128x128xf32, #tpu.memory_space<vmem>>)
    "tpu.region"() ({
      %run_scoped3A = tpu.sem_alloc : memref<!tpu.dma_semaphore, #tpu.memory_space<semaphore_mem>>
      %dma_start3A_79 = arith.constant 0 : i32
      %dma_start3A_80 = tpu.memref_slice %arg4[%add3A_32, %dma_start3A_79] : memref<32768x128xf32, #tpu.memory_space<hbm>> -> memref<128x128xf32, #tpu.memory_space<hbm>>
      %dma_start3A_81 = arith.constant 0 : i32
      %dma_start3A_82 = tpu.memref_slice %arg4[%add3A_32, %dma_start3A_81] : memref<32768x128xf32, #tpu.memory_space<hbm>> -> memref<128x128xf32, #tpu.memory_space<hbm>>
      tpu.enqueue_dma source(%arg6 : memref<128x128xf32, #tpu.memory_space<vmem>>) target(%dma_start3A_82 : memref<128x128xf32, #tpu.memory_space<hbm>>) target_semaphore(%run_scoped3A : memref<!tpu.dma_semaphore, #tpu.memory_space<semaphore_mem>>)
      %dma_wait3A_83 = arith.constant 0 : i32
      %dma_wait3A_84 = tpu.memref_slice %arg4[%add3A_32, %dma_wait3A_83] : memref<32768x128xf32, #tpu.memory_space<hbm>> -> memref<128x128xf32, #tpu.memory_space<hbm>>
      %dma_wait3A_85 = arith.constant 0 : i32
      %dma_wait3A_86 = tpu.memref_slice %arg4[%add3A_32, %dma_wait3A_85] : memref<32768x128xf32, #tpu.memory_space<hbm>> -> memref<128x128xf32, #tpu.memory_space<hbm>>
      tpu.wait_dma2 semaphore(%run_scoped3A : memref<!tpu.dma_semaphore, #tpu.memory_space<semaphore_mem>>) src(%arg6 : memref<128x128xf32, #tpu.memory_space<vmem>>) dst(%dma_wait3A_86 : memref<128x128xf32, #tpu.memory_space<hbm>>)
      tpu.yield
    }) : () -> ()
    %mul3A_39 = arith.constant 1024 : i32
    %mul3A_40 = arith.muli %add3A, %mul3A_39 : i32
    %add3A_41 = arith.constant 512 : i32
    %add3A_42 = arith.addi %mul3A_40, %add3A_41 : i32
    "tpu.region"() ({
      %run_scoped3A = tpu.sem_alloc : memref<!tpu.dma_semaphore, #tpu.memory_space<semaphore_mem>>
      %dma_start3A_79 = tpu.memref_slice %arg3[%add3A_42] : memref<32768xi32, #tpu.memory_space<hbm>> -> memref<128xi32, #tpu.memory_space<hbm>>
      %dma_start3A_80 = tpu.memref_slice %arg3[%add3A_42] : memref<32768xi32, #tpu.memory_space<hbm>> -> memref<128xi32, #tpu.memory_space<hbm>>
      tpu.enqueue_dma source(%dma_start3A_80 : memref<128xi32, #tpu.memory_space<hbm>>) target(%arg5 : memref<128xi32, #tpu.memory_space<vmem>>) target_semaphore(%run_scoped3A : memref<!tpu.dma_semaphore, #tpu.memory_space<semaphore_mem>>)
      %dma_wait3A_81 = tpu.memref_slice %arg3[%add3A_42] : memref<32768xi32, #tpu.memory_space<hbm>> -> memref<128xi32, #tpu.memory_space<hbm>>
      %dma_wait3A_82 = tpu.memref_slice %arg3[%add3A_42] : memref<32768xi32, #tpu.memory_space<hbm>> -> memref<128xi32, #tpu.memory_space<hbm>>
      tpu.wait_dma2 semaphore(%run_scoped3A : memref<!tpu.dma_semaphore, #tpu.memory_space<semaphore_mem>>) src(%dma_wait3A_82 : memref<128xi32, #tpu.memory_space<hbm>>) dst(%arg5 : memref<128xi32, #tpu.memory_space<vmem>>)
      tpu.yield
    }) : () -> ()
    %dma_start3A_43 = arith.constant 0 : i32
    %dma_start3A_44 = arith.constant 0 : i32
    %dma_start3A_45 = tpu.memref_slice %arg2[%dma_start3A_43, %dma_start3A_44] : memref<16384x128xf32, #tpu.memory_space<hbm>> -> memref<16384x128xf32, #tpu.memory_space<hbm>>
    tpu.enqueue_indirect_dma source(%dma_start3A_45 : memref<16384x128xf32, #tpu.memory_space<hbm>>) target(%arg6 : memref<128x128xf32, #tpu.memory_space<vmem>>) offsets(%arg5 : memref<128xi32, #tpu.memory_space<vmem>>) semaphore(%arg7 : memref<!tpu.dma_semaphore, #tpu.memory_space<semaphore_mem>>)
    %dma_wait3A_46 = arith.constant 0 : i32
    %dma_wait3A_47 = arith.constant 0 : i32
    %dma_wait3A_48 = tpu.memref_slice %arg2[%dma_wait3A_46, %dma_wait3A_47] : memref<16384x128xf32, #tpu.memory_space<hbm>> -> memref<16384x128xf32, #tpu.memory_space<hbm>>
    tpu.wait_indirect_dma semaphore(%arg7 : memref<!tpu.dma_semaphore, #tpu.memory_space<semaphore_mem>>) src(%dma_wait3A_48 : memref<16384x128xf32, #tpu.memory_space<hbm>>) dst(%arg6 : memref<128x128xf32, #tpu.memory_space<vmem>>)
    "tpu.region"() ({
      %run_scoped3A = tpu.sem_alloc : memref<!tpu.dma_semaphore, #tpu.memory_space<semaphore_mem>>
      %dma_start3A_79 = arith.constant 0 : i32
      %dma_start3A_80 = tpu.memref_slice %arg4[%add3A_42, %dma_start3A_79] : memref<32768x128xf32, #tpu.memory_space<hbm>> -> memref<128x128xf32, #tpu.memory_space<hbm>>
      %dma_start3A_81 = arith.constant 0 : i32
      %dma_start3A_82 = tpu.memref_slice %arg4[%add3A_42, %dma_start3A_81] : memref<32768x128xf32, #tpu.memory_space<hbm>> -> memref<128x128xf32, #tpu.memory_space<hbm>>
      tpu.enqueue_dma source(%arg6 : memref<128x128xf32, #tpu.memory_space<vmem>>) target(%dma_start3A_82 : memref<128x128xf32, #tpu.memory_space<hbm>>) target_semaphore(%run_scoped3A : memref<!tpu.dma_semaphore, #tpu.memory_space<semaphore_mem>>)
      %dma_wait3A_83 = arith.constant 0 : i32
      %dma_wait3A_84 = tpu.memref_slice %arg4[%add3A_42, %dma_wait3A_83] : memref<32768x128xf32, #tpu.memory_space<hbm>> -> memref<128x128xf32, #tpu.memory_space<hbm>>
      %dma_wait3A_85 = arith.constant 0 : i32
      %dma_wait3A_86 = tpu.memref_slice %arg4[%add3A_42, %dma_wait3A_85] : memref<32768x128xf32, #tpu.memory_space<hbm>> -> memref<128x128xf32, #tpu.memory_space<hbm>>
      tpu.wait_dma2 semaphore(%run_scoped3A : memref<!tpu.dma_semaphore, #tpu.memory_space<semaphore_mem>>) src(%arg6 : memref<128x128xf32, #tpu.memory_space<vmem>>) dst(%dma_wait3A_86 : memref<128x128xf32, #tpu.memory_space<hbm>>)
      tpu.yield
    }) : () -> ()
    %mul3A_49 = arith.constant 1024 : i32
    %mul3A_50 = arith.muli %add3A, %mul3A_49 : i32
    %add3A_51 = arith.constant 640 : i32
    %add3A_52 = arith.addi %mul3A_50, %add3A_51 : i32
    "tpu.region"() ({
      %run_scoped3A = tpu.sem_alloc : memref<!tpu.dma_semaphore, #tpu.memory_space<semaphore_mem>>
      %dma_start3A_79 = tpu.memref_slice %arg3[%add3A_52] : memref<32768xi32, #tpu.memory_space<hbm>> -> memref<128xi32, #tpu.memory_space<hbm>>
      %dma_start3A_80 = tpu.memref_slice %arg3[%add3A_52] : memref<32768xi32, #tpu.memory_space<hbm>> -> memref<128xi32, #tpu.memory_space<hbm>>
      tpu.enqueue_dma source(%dma_start3A_80 : memref<128xi32, #tpu.memory_space<hbm>>) target(%arg5 : memref<128xi32, #tpu.memory_space<vmem>>) target_semaphore(%run_scoped3A : memref<!tpu.dma_semaphore, #tpu.memory_space<semaphore_mem>>)
      %dma_wait3A_81 = tpu.memref_slice %arg3[%add3A_52] : memref<32768xi32, #tpu.memory_space<hbm>> -> memref<128xi32, #tpu.memory_space<hbm>>
      %dma_wait3A_82 = tpu.memref_slice %arg3[%add3A_52] : memref<32768xi32, #tpu.memory_space<hbm>> -> memref<128xi32, #tpu.memory_space<hbm>>
      tpu.wait_dma2 semaphore(%run_scoped3A : memref<!tpu.dma_semaphore, #tpu.memory_space<semaphore_mem>>) src(%dma_wait3A_82 : memref<128xi32, #tpu.memory_space<hbm>>) dst(%arg5 : memref<128xi32, #tpu.memory_space<vmem>>)
      tpu.yield
    }) : () -> ()
    %dma_start3A_53 = arith.constant 0 : i32
    %dma_start3A_54 = arith.constant 0 : i32
    %dma_start3A_55 = tpu.memref_slice %arg2[%dma_start3A_53, %dma_start3A_54] : memref<16384x128xf32, #tpu.memory_space<hbm>> -> memref<16384x128xf32, #tpu.memory_space<hbm>>
    tpu.enqueue_indirect_dma source(%dma_start3A_55 : memref<16384x128xf32, #tpu.memory_space<hbm>>) target(%arg6 : memref<128x128xf32, #tpu.memory_space<vmem>>) offsets(%arg5 : memref<128xi32, #tpu.memory_space<vmem>>) semaphore(%arg7 : memref<!tpu.dma_semaphore, #tpu.memory_space<semaphore_mem>>)
    %dma_wait3A_56 = arith.constant 0 : i32
    %dma_wait3A_57 = arith.constant 0 : i32
    %dma_wait3A_58 = tpu.memref_slice %arg2[%dma_wait3A_56, %dma_wait3A_57] : memref<16384x128xf32, #tpu.memory_space<hbm>> -> memref<16384x128xf32, #tpu.memory_space<hbm>>
    tpu.wait_indirect_dma semaphore(%arg7 : memref<!tpu.dma_semaphore, #tpu.memory_space<semaphore_mem>>) src(%dma_wait3A_58 : memref<16384x128xf32, #tpu.memory_space<hbm>>) dst(%arg6 : memref<128x128xf32, #tpu.memory_space<vmem>>)
    "tpu.region"() ({
      %run_scoped3A = tpu.sem_alloc : memref<!tpu.dma_semaphore, #tpu.memory_space<semaphore_mem>>
      %dma_start3A_79 = arith.constant 0 : i32
      %dma_start3A_80 = tpu.memref_slice %arg4[%add3A_52, %dma_start3A_79] : memref<32768x128xf32, #tpu.memory_space<hbm>> -> memref<128x128xf32, #tpu.memory_space<hbm>>
      %dma_start3A_81 = arith.constant 0 : i32
      %dma_start3A_82 = tpu.memref_slice %arg4[%add3A_52, %dma_start3A_81] : memref<32768x128xf32, #tpu.memory_space<hbm>> -> memref<128x128xf32, #tpu.memory_space<hbm>>
      tpu.enqueue_dma source(%arg6 : memref<128x128xf32, #tpu.memory_space<vmem>>) target(%dma_start3A_82 : memref<128x128xf32, #tpu.memory_space<hbm>>) target_semaphore(%run_scoped3A : memref<!tpu.dma_semaphore, #tpu.memory_space<semaphore_mem>>)
      %dma_wait3A_83 = arith.constant 0 : i32
      %dma_wait3A_84 = tpu.memref_slice %arg4[%add3A_52, %dma_wait3A_83] : memref<32768x128xf32, #tpu.memory_space<hbm>> -> memref<128x128xf32, #tpu.memory_space<hbm>>
      %dma_wait3A_85 = arith.constant 0 : i32
      %dma_wait3A_86 = tpu.memref_slice %arg4[%add3A_52, %dma_wait3A_85] : memref<32768x128xf32, #tpu.memory_space<hbm>> -> memref<128x128xf32, #tpu.memory_space<hbm>>
      tpu.wait_dma2 semaphore(%run_scoped3A : memref<!tpu.dma_semaphore, #tpu.memory_space<semaphore_mem>>) src(%arg6 : memref<128x128xf32, #tpu.memory_space<vmem>>) dst(%dma_wait3A_86 : memref<128x128xf32, #tpu.memory_space<hbm>>)
      tpu.yield
    }) : () -> ()
    %mul3A_59 = arith.constant 1024 : i32
    %mul3A_60 = arith.muli %add3A, %mul3A_59 : i32
    %add3A_61 = arith.constant 768 : i32
    %add3A_62 = arith.addi %mul3A_60, %add3A_61 : i32
    "tpu.region"() ({
      %run_scoped3A = tpu.sem_alloc : memref<!tpu.dma_semaphore, #tpu.memory_space<semaphore_mem>>
      %dma_start3A_79 = tpu.memref_slice %arg3[%add3A_62] : memref<32768xi32, #tpu.memory_space<hbm>> -> memref<128xi32, #tpu.memory_space<hbm>>
      %dma_start3A_80 = tpu.memref_slice %arg3[%add3A_62] : memref<32768xi32, #tpu.memory_space<hbm>> -> memref<128xi32, #tpu.memory_space<hbm>>
      tpu.enqueue_dma source(%dma_start3A_80 : memref<128xi32, #tpu.memory_space<hbm>>) target(%arg5 : memref<128xi32, #tpu.memory_space<vmem>>) target_semaphore(%run_scoped3A : memref<!tpu.dma_semaphore, #tpu.memory_space<semaphore_mem>>)
      %dma_wait3A_81 = tpu.memref_slice %arg3[%add3A_62] : memref<32768xi32, #tpu.memory_space<hbm>> -> memref<128xi32, #tpu.memory_space<hbm>>
      %dma_wait3A_82 = tpu.memref_slice %arg3[%add3A_62] : memref<32768xi32, #tpu.memory_space<hbm>> -> memref<128xi32, #tpu.memory_space<hbm>>
      tpu.wait_dma2 semaphore(%run_scoped3A : memref<!tpu.dma_semaphore, #tpu.memory_space<semaphore_mem>>) src(%dma_wait3A_82 : memref<128xi32, #tpu.memory_space<hbm>>) dst(%arg5 : memref<128xi32, #tpu.memory_space<vmem>>)
      tpu.yield
    }) : () -> ()
    %dma_start3A_63 = arith.constant 0 : i32
    %dma_start3A_64 = arith.constant 0 : i32
    %dma_start3A_65 = tpu.memref_slice %arg2[%dma_start3A_63, %dma_start3A_64] : memref<16384x128xf32, #tpu.memory_space<hbm>> -> memref<16384x128xf32, #tpu.memory_space<hbm>>
    tpu.enqueue_indirect_dma source(%dma_start3A_65 : memref<16384x128xf32, #tpu.memory_space<hbm>>) target(%arg6 : memref<128x128xf32, #tpu.memory_space<vmem>>) offsets(%arg5 : memref<128xi32, #tpu.memory_space<vmem>>) semaphore(%arg7 : memref<!tpu.dma_semaphore, #tpu.memory_space<semaphore_mem>>)
    %dma_wait3A_66 = arith.constant 0 : i32
    %dma_wait3A_67 = arith.constant 0 : i32
    %dma_wait3A_68 = tpu.memref_slice %arg2[%dma_wait3A_66, %dma_wait3A_67] : memref<16384x128xf32, #tpu.memory_space<hbm>> -> memref<16384x128xf32, #tpu.memory_space<hbm>>
    tpu.wait_indirect_dma semaphore(%arg7 : memref<!tpu.dma_semaphore, #tpu.memory_space<semaphore_mem>>) src(%dma_wait3A_68 : memref<16384x128xf32, #tpu.memory_space<hbm>>) dst(%arg6 : memref<128x128xf32, #tpu.memory_space<vmem>>)
    "tpu.region"() ({
      %run_scoped3A = tpu.sem_alloc : memref<!tpu.dma_semaphore, #tpu.memory_space<semaphore_mem>>
      %dma_start3A_79 = arith.constant 0 : i32
      %dma_start3A_80 = tpu.memref_slice %arg4[%add3A_62, %dma_start3A_79] : memref<32768x128xf32, #tpu.memory_space<hbm>> -> memref<128x128xf32, #tpu.memory_space<hbm>>
      %dma_start3A_81 = arith.constant 0 : i32
      %dma_start3A_82 = tpu.memref_slice %arg4[%add3A_62, %dma_start3A_81] : memref<32768x128xf32, #tpu.memory_space<hbm>> -> memref<128x128xf32, #tpu.memory_space<hbm>>
      tpu.enqueue_dma source(%arg6 : memref<128x128xf32, #tpu.memory_space<vmem>>) target(%dma_start3A_82 : memref<128x128xf32, #tpu.memory_space<hbm>>) target_semaphore(%run_scoped3A : memref<!tpu.dma_semaphore, #tpu.memory_space<semaphore_mem>>)
      %dma_wait3A_83 = arith.constant 0 : i32
      %dma_wait3A_84 = tpu.memref_slice %arg4[%add3A_62, %dma_wait3A_83] : memref<32768x128xf32, #tpu.memory_space<hbm>> -> memref<128x128xf32, #tpu.memory_space<hbm>>
      %dma_wait3A_85 = arith.constant 0 : i32
      %dma_wait3A_86 = tpu.memref_slice %arg4[%add3A_62, %dma_wait3A_85] : memref<32768x128xf32, #tpu.memory_space<hbm>> -> memref<128x128xf32, #tpu.memory_space<hbm>>
      tpu.wait_dma2 semaphore(%run_scoped3A : memref<!tpu.dma_semaphore, #tpu.memory_space<semaphore_mem>>) src(%arg6 : memref<128x128xf32, #tpu.memory_space<vmem>>) dst(%dma_wait3A_86 : memref<128x128xf32, #tpu.memory_space<hbm>>)
      tpu.yield
    }) : () -> ()
    %mul3A_69 = arith.constant 1024 : i32
    %mul3A_70 = arith.muli %add3A, %mul3A_69 : i32
    %add3A_71 = arith.constant 896 : i32
    %add3A_72 = arith.addi %mul3A_70, %add3A_71 : i32
    "tpu.region"() ({
      %run_scoped3A = tpu.sem_alloc : memref<!tpu.dma_semaphore, #tpu.memory_space<semaphore_mem>>
      %dma_start3A_79 = tpu.memref_slice %arg3[%add3A_72] : memref<32768xi32, #tpu.memory_space<hbm>> -> memref<128xi32, #tpu.memory_space<hbm>>
      %dma_start3A_80 = tpu.memref_slice %arg3[%add3A_72] : memref<32768xi32, #tpu.memory_space<hbm>> -> memref<128xi32, #tpu.memory_space<hbm>>
      tpu.enqueue_dma source(%dma_start3A_80 : memref<128xi32, #tpu.memory_space<hbm>>) target(%arg5 : memref<128xi32, #tpu.memory_space<vmem>>) target_semaphore(%run_scoped3A : memref<!tpu.dma_semaphore, #tpu.memory_space<semaphore_mem>>)
      %dma_wait3A_81 = tpu.memref_slice %arg3[%add3A_72] : memref<32768xi32, #tpu.memory_space<hbm>> -> memref<128xi32, #tpu.memory_space<hbm>>
      %dma_wait3A_82 = tpu.memref_slice %arg3[%add3A_72] : memref<32768xi32, #tpu.memory_space<hbm>> -> memref<128xi32, #tpu.memory_space<hbm>>
      tpu.wait_dma2 semaphore(%run_scoped3A : memref<!tpu.dma_semaphore, #tpu.memory_space<semaphore_mem>>) src(%dma_wait3A_82 : memref<128xi32, #tpu.memory_space<hbm>>) dst(%arg5 : memref<128xi32, #tpu.memory_space<vmem>>)
      tpu.yield
    }) : () -> ()
    %dma_start3A_73 = arith.constant 0 : i32
    %dma_start3A_74 = arith.constant 0 : i32
    %dma_start3A_75 = tpu.memref_slice %arg2[%dma_start3A_73, %dma_start3A_74] : memref<16384x128xf32, #tpu.memory_space<hbm>> -> memref<16384x128xf32, #tpu.memory_space<hbm>>
    tpu.enqueue_indirect_dma source(%dma_start3A_75 : memref<16384x128xf32, #tpu.memory_space<hbm>>) target(%arg6 : memref<128x128xf32, #tpu.memory_space<vmem>>) offsets(%arg5 : memref<128xi32, #tpu.memory_space<vmem>>) semaphore(%arg7 : memref<!tpu.dma_semaphore, #tpu.memory_space<semaphore_mem>>)
    %dma_wait3A_76 = arith.constant 0 : i32
    %dma_wait3A_77 = arith.constant 0 : i32
    %dma_wait3A_78 = tpu.memref_slice %arg2[%dma_wait3A_76, %dma_wait3A_77] : memref<16384x128xf32, #tpu.memory_space<hbm>> -> memref<16384x128xf32, #tpu.memory_space<hbm>>
    tpu.wait_indirect_dma semaphore(%arg7 : memref<!tpu.dma_semaphore, #tpu.memory_space<semaphore_mem>>) src(%dma_wait3A_78 : memref<16384x128xf32, #tpu.memory_space<hbm>>) dst(%arg6 : memref<128x128xf32, #tpu.memory_space<vmem>>)
    "tpu.region"() ({
      %run_scoped3A = tpu.sem_alloc : memref<!tpu.dma_semaphore, #tpu.memory_space<semaphore_mem>>
      %dma_start3A_79 = arith.constant 0 : i32
      %dma_start3A_80 = tpu.memref_slice %arg4[%add3A_72, %dma_start3A_79] : memref<32768x128xf32, #tpu.memory_space<hbm>> -> memref<128x128xf32, #tpu.memory_space<hbm>>
      %dma_start3A_81 = arith.constant 0 : i32
      %dma_start3A_82 = tpu.memref_slice %arg4[%add3A_72, %dma_start3A_81] : memref<32768x128xf32, #tpu.memory_space<hbm>> -> memref<128x128xf32, #tpu.memory_space<hbm>>
      tpu.enqueue_dma source(%arg6 : memref<128x128xf32, #tpu.memory_space<vmem>>) target(%dma_start3A_82 : memref<128x128xf32, #tpu.memory_space<hbm>>) target_semaphore(%run_scoped3A : memref<!tpu.dma_semaphore, #tpu.memory_space<semaphore_mem>>)
      %dma_wait3A_83 = arith.constant 0 : i32
      %dma_wait3A_84 = tpu.memref_slice %arg4[%add3A_72, %dma_wait3A_83] : memref<32768x128xf32, #tpu.memory_space<hbm>> -> memref<128x128xf32, #tpu.memory_space<hbm>>
      %dma_wait3A_85 = arith.constant 0 : i32
      %dma_wait3A_86 = tpu.memref_slice %arg4[%add3A_72, %dma_wait3A_85] : memref<32768x128xf32, #tpu.memory_space<hbm>> -> memref<128x128xf32, #tpu.memory_space<hbm>>
      tpu.wait_dma2 semaphore(%run_scoped3A : memref<!tpu.dma_semaphore, #tpu.memory_space<semaphore_mem>>) src(%arg6 : memref<128x128xf32, #tpu.memory_space<vmem>>) dst(%dma_wait3A_86 : memref<128x128xf32, #tpu.memory_space<hbm>>)
      tpu.yield
    }) : () -> ()
    return
  }
}

module attributes {stable_mosaic.version = 14 : i64} {
  func.func @_knn_body(%arg0: i32, %arg1: i32, %arg2: memref<1x64x256xf32, #tpu.memory_space<vmem>>, %arg3: memref<1x64x8192xf32, #tpu.memory_space<vmem>>, %arg4: memref<1x3x256xf32, #tpu.memory_space<vmem>>, %arg5: memref<1x3x8192xf32, #tpu.memory_space<vmem>>, %arg6: memref<1x256x16xi32, #tpu.memory_space<vmem>>) attributes {dimension_semantics = [#tpu.dimension_semantics<arbitrary>, #tpu.dimension_semantics<arbitrary>], iteration_bounds = array<i64: 1, 8>, scalar_prefetch = 0 : i64, scratch_operands = 0 : i64, tpu.core_type = #tpu.core_type<tc>, window_params = [{transform_indices = @transform_0, window_bounds = array<i64: 1, 64, 256>}, {transform_indices = @transform_1, window_bounds = array<i64: 1, 64, 8192>}, {transform_indices = @transform_2, window_bounds = array<i64: 1, 3, 256>}, {transform_indices = @transform_3, window_bounds = array<i64: 1, 3, 8192>}, {transform_indices = @transform_4, window_bounds = array<i64: 1, 256, 16>}]} {
    %get3A = arith.constant 0 : index
    %get3A_0 = arith.constant 0 : index
    %get3A_1 = arith.constant 0 : index
    %get3A_2 = vector.load %arg2[%get3A, %get3A_0, %get3A_1] : memref<1x64x256xf32, #tpu.memory_space<vmem>>, vector<1x64x256xf32>
    %get3A_3 = vector.shape_cast %get3A_2 : vector<1x64x256xf32> to vector<64x256xf32>
    %get3A_4 = arith.constant 0 : index
    %get3A_5 = arith.constant 0 : index
    %get3A_6 = arith.constant 0 : index
    %get3A_7 = vector.load %arg3[%get3A_4, %get3A_5, %get3A_6] : memref<1x64x8192xf32, #tpu.memory_space<vmem>>, vector<1x64x8192xf32>
    %get3A_8 = vector.shape_cast %get3A_7 : vector<1x64x8192xf32> to vector<64x8192xf32>
    %dot_general3A = arith.constant dense<0.000000e+00> : vector<256x8192xf32>
    %dot_general3A_9 = tpu.matmul %get3A_3, %get3A_8, %dot_general3A {dimension_numbers = #tpu.dot_dimension_numbers<[0], [0], [1], [1], [0, 1, 1, 1], [], []>, transpose_lhs_hint = false} : vector<64x256xf32>, vector<64x8192xf32>, vector<256x8192xf32> -> vector<256x8192xf32>
    %mul3A = arith.mulf %get3A_8, %get3A_8 : vector<64x8192xf32>
    %reduce_sum3A = arith.constant dense<0.000000e+00> : vector<8192xf32>
    %reduce_sum3A_10 = vector.multi_reduction <add>, %mul3A, %reduce_sum3A [0] : vector<64x8192xf32> to vector<8192xf32>
    %broadcast_in_dim3A = vector.shape_cast %reduce_sum3A_10 : vector<8192xf32> to vector<1x8192xf32>
    %neg3A = arith.constant 0.000000e+00 : f32
    %neg3A_11 = vector.broadcast %neg3A : f32 to vector<256x8192xf32>
    %neg3A_12 = arith.subf %neg3A_11, %dot_general3A_9 : vector<256x8192xf32>
    %add3A = arith.constant 9.99999993E-9 : f32
    %add3A_13 = vector.broadcast %add3A : f32 to vector<1x8192xf32>
    %add3A_14 = arith.addf %broadcast_in_dim3A, %add3A_13 : vector<1x8192xf32>
    %rsqrt3A = math.rsqrt %add3A_14 : vector<1x8192xf32>
    %mul3A_15 = vector.broadcast %rsqrt3A : vector<1x8192xf32> to vector<256x8192xf32>
    %mul3A_16 = arith.mulf %neg3A_12, %mul3A_15 : vector<256x8192xf32>
    %iota3A = tpu.iota {dimensions = array<i32: 1>} : vector<256x8192xi32>
    %convert_element_type3A = arith.sitofp %iota3A : vector<256x8192xi32> to vector<256x8192xf32>
    %reduce_min3A = arith.constant dense<0x7F800000> : vector<256xf32>
    %reduce_min3A_17 = vector.multi_reduction <minimumf>, %mul3A_16, %reduce_min3A [1] : vector<256x8192xf32> to vector<256xf32>
    %broadcast_in_dim3A_18 = vector.shape_cast %reduce_min3A_17 : vector<256xf32> to vector<256x1xf32>
    %broadcast_in_dim3A_19 = arith.constant 0.000000e+00 : f32
    %broadcast_in_dim3A_20 = vector.broadcast %broadcast_in_dim3A_19 : f32 to vector<256x1xf32>
    %le3A = vector.broadcast %broadcast_in_dim3A_18 : vector<256x1xf32> to vector<256x8192xf32>
    %le3A_21 = arith.cmpf ole, %mul3A_16, %le3A : vector<256x8192xf32>
    %jit3A = arith.constant 0.000000e+00 : f32
    %broadcast_in_dim3A_22 = vector.broadcast %jit3A : f32 to vector<256x8192xf32>
    %select_n3A = arith.select %le3A_21, %convert_element_type3A, %broadcast_in_dim3A_22 : vector<256x8192xi1>, vector<256x8192xf32>
    %reduce_sum3A_23 = arith.constant dense<0.000000e+00> : vector<256xf32>
    %reduce_sum3A_24 = vector.multi_reduction <add>, %select_n3A, %reduce_sum3A_23 [1] : vector<256x8192xf32> to vector<256xf32>
    %broadcast_in_dim3A_25 = vector.shape_cast %reduce_sum3A_24 : vector<256xf32> to vector<256x1xf32>
    %sub3A = arith.subf %broadcast_in_dim3A_25, %broadcast_in_dim3A_20 : vector<256x1xf32>
    %convert_element_type3A_26 = arith.fptosi %sub3A : vector<256x1xf32> to vector<256x1xi32>
    %jit3A_27 = arith.constant 0 : i32
    %jit3A_28 = arith.constant 8191 : i32
    %max3A = vector.broadcast %jit3A_27 : i32 to vector<256x1xi32>
    %max3A_29 = arith.maxsi %max3A, %convert_element_type3A_26 : vector<256x1xi32>
    %min3A = vector.broadcast %jit3A_28 : i32 to vector<256x1xi32>
    %min3A_30 = arith.minsi %min3A, %max3A_29 : vector<256x1xi32>
    %jit3A_31 = arith.constant 3.000000e+38 : f32
    %broadcast_in_dim3A_32 = vector.broadcast %jit3A_31 : f32 to vector<256x8192xf32>
    %select_n3A_33 = arith.select %le3A_21, %broadcast_in_dim3A_32, %mul3A_16 : vector<256x8192xi1>, vector<256x8192xf32>
    %reduce_min3A_34 = arith.constant dense<0x7F800000> : vector<256xf32>
    %reduce_min3A_35 = vector.multi_reduction <minimumf>, %select_n3A_33, %reduce_min3A_34 [1] : vector<256x8192xf32> to vector<256xf32>
    %broadcast_in_dim3A_36 = vector.shape_cast %reduce_min3A_35 : vector<256xf32> to vector<256x1xf32>
    %le3A_37 = vector.broadcast %broadcast_in_dim3A_36 : vector<256x1xf32> to vector<256x8192xf32>
    %le3A_38 = arith.cmpf ole, %mul3A_16, %le3A_37 : vector<256x8192xf32>
    %jit3A_39 = arith.constant 0.000000e+00 : f32
    %broadcast_in_dim3A_40 = vector.broadcast %jit3A_39 : f32 to vector<256x8192xf32>
    %select_n3A_41 = arith.select %le3A_38, %convert_element_type3A, %broadcast_in_dim3A_40 : vector<256x8192xi1>, vector<256x8192xf32>
    %reduce_sum3A_42 = arith.constant dense<0.000000e+00> : vector<256xf32>
    %reduce_sum3A_43 = vector.multi_reduction <add>, %select_n3A_41, %reduce_sum3A_42 [1] : vector<256x8192xf32> to vector<256xf32>
    %broadcast_in_dim3A_44 = vector.shape_cast %reduce_sum3A_43 : vector<256xf32> to vector<256x1xf32>
    %sub3A_45 = arith.subf %broadcast_in_dim3A_44, %broadcast_in_dim3A_25 : vector<256x1xf32>
    %convert_element_type3A_46 = arith.fptosi %sub3A_45 : vector<256x1xf32> to vector<256x1xi32>
    %jit3A_47 = arith.constant 0 : i32
    %jit3A_48 = arith.constant 8191 : i32
    %max3A_49 = vector.broadcast %jit3A_47 : i32 to vector<256x1xi32>
    %max3A_50 = arith.maxsi %max3A_49, %convert_element_type3A_46 : vector<256x1xi32>
    %min3A_51 = vector.broadcast %jit3A_48 : i32 to vector<256x1xi32>
    %min3A_52 = arith.minsi %min3A_51, %max3A_50 : vector<256x1xi32>
    %jit3A_53 = arith.constant 3.000000e+38 : f32
    %broadcast_in_dim3A_54 = vector.broadcast %jit3A_53 : f32 to vector<256x8192xf32>
    %select_n3A_55 = arith.select %le3A_38, %broadcast_in_dim3A_54, %mul3A_16 : vector<256x8192xi1>, vector<256x8192xf32>
    %reduce_min3A_56 = arith.constant dense<0x7F800000> : vector<256xf32>
    %reduce_min3A_57 = vector.multi_reduction <minimumf>, %select_n3A_55, %reduce_min3A_56 [1] : vector<256x8192xf32> to vector<256xf32>
    %broadcast_in_dim3A_58 = vector.shape_cast %reduce_min3A_57 : vector<256xf32> to vector<256x1xf32>
    %le3A_59 = vector.broadcast %broadcast_in_dim3A_58 : vector<256x1xf32> to vector<256x8192xf32>
    %le3A_60 = arith.cmpf ole, %mul3A_16, %le3A_59 : vector<256x8192xf32>
    %jit3A_61 = arith.constant 0.000000e+00 : f32
    %broadcast_in_dim3A_62 = vector.broadcast %jit3A_61 : f32 to vector<256x8192xf32>
    %select_n3A_63 = arith.select %le3A_60, %convert_element_type3A, %broadcast_in_dim3A_62 : vector<256x8192xi1>, vector<256x8192xf32>
    %reduce_sum3A_64 = arith.constant dense<0.000000e+00> : vector<256xf32>
    %reduce_sum3A_65 = vector.multi_reduction <add>, %select_n3A_63, %reduce_sum3A_64 [1] : vector<256x8192xf32> to vector<256xf32>
    %broadcast_in_dim3A_66 = vector.shape_cast %reduce_sum3A_65 : vector<256xf32> to vector<256x1xf32>
    %sub3A_67 = arith.subf %broadcast_in_dim3A_66, %broadcast_in_dim3A_44 : vector<256x1xf32>
    %convert_element_type3A_68 = arith.fptosi %sub3A_67 : vector<256x1xf32> to vector<256x1xi32>
    %jit3A_69 = arith.constant 0 : i32
    %jit3A_70 = arith.constant 8191 : i32
    %max3A_71 = vector.broadcast %jit3A_69 : i32 to vector<256x1xi32>
    %max3A_72 = arith.maxsi %max3A_71, %convert_element_type3A_68 : vector<256x1xi32>
    %min3A_73 = vector.broadcast %jit3A_70 : i32 to vector<256x1xi32>
    %min3A_74 = arith.minsi %min3A_73, %max3A_72 : vector<256x1xi32>
    %jit3A_75 = arith.constant 3.000000e+38 : f32
    %broadcast_in_dim3A_76 = vector.broadcast %jit3A_75 : f32 to vector<256x8192xf32>
    %select_n3A_77 = arith.select %le3A_60, %broadcast_in_dim3A_76, %mul3A_16 : vector<256x8192xi1>, vector<256x8192xf32>
    %reduce_min3A_78 = arith.constant dense<0x7F800000> : vector<256xf32>
    %reduce_min3A_79 = vector.multi_reduction <minimumf>, %select_n3A_77, %reduce_min3A_78 [1] : vector<256x8192xf32> to vector<256xf32>
    %broadcast_in_dim3A_80 = vector.shape_cast %reduce_min3A_79 : vector<256xf32> to vector<256x1xf32>
    %le3A_81 = vector.broadcast %broadcast_in_dim3A_80 : vector<256x1xf32> to vector<256x8192xf32>
    %le3A_82 = arith.cmpf ole, %mul3A_16, %le3A_81 : vector<256x8192xf32>
    %jit3A_83 = arith.constant 0.000000e+00 : f32
    %broadcast_in_dim3A_84 = vector.broadcast %jit3A_83 : f32 to vector<256x8192xf32>
    %select_n3A_85 = arith.select %le3A_82, %convert_element_type3A, %broadcast_in_dim3A_84 : vector<256x8192xi1>, vector<256x8192xf32>
    %reduce_sum3A_86 = arith.constant dense<0.000000e+00> : vector<256xf32>
    %reduce_sum3A_87 = vector.multi_reduction <add>, %select_n3A_85, %reduce_sum3A_86 [1] : vector<256x8192xf32> to vector<256xf32>
    %broadcast_in_dim3A_88 = vector.shape_cast %reduce_sum3A_87 : vector<256xf32> to vector<256x1xf32>
    %sub3A_89 = arith.subf %broadcast_in_dim3A_88, %broadcast_in_dim3A_66 : vector<256x1xf32>
    %convert_element_type3A_90 = arith.fptosi %sub3A_89 : vector<256x1xf32> to vector<256x1xi32>
    %jit3A_91 = arith.constant 0 : i32
    %jit3A_92 = arith.constant 8191 : i32
    %max3A_93 = vector.broadcast %jit3A_91 : i32 to vector<256x1xi32>
    %max3A_94 = arith.maxsi %max3A_93, %convert_element_type3A_90 : vector<256x1xi32>
    %min3A_95 = vector.broadcast %jit3A_92 : i32 to vector<256x1xi32>
    %min3A_96 = arith.minsi %min3A_95, %max3A_94 : vector<256x1xi32>
    %jit3A_97 = arith.constant 3.000000e+38 : f32
    %broadcast_in_dim3A_98 = vector.broadcast %jit3A_97 : f32 to vector<256x8192xf32>
    %select_n3A_99 = arith.select %le3A_82, %broadcast_in_dim3A_98, %mul3A_16 : vector<256x8192xi1>, vector<256x8192xf32>
    %reduce_min3A_100 = arith.constant dense<0x7F800000> : vector<256xf32>
    %reduce_min3A_101 = vector.multi_reduction <minimumf>, %select_n3A_99, %reduce_min3A_100 [1] : vector<256x8192xf32> to vector<256xf32>
    %broadcast_in_dim3A_102 = vector.shape_cast %reduce_min3A_101 : vector<256xf32> to vector<256x1xf32>
    %le3A_103 = vector.broadcast %broadcast_in_dim3A_102 : vector<256x1xf32> to vector<256x8192xf32>
    %le3A_104 = arith.cmpf ole, %mul3A_16, %le3A_103 : vector<256x8192xf32>
    %jit3A_105 = arith.constant 0.000000e+00 : f32
    %broadcast_in_dim3A_106 = vector.broadcast %jit3A_105 : f32 to vector<256x8192xf32>
    %select_n3A_107 = arith.select %le3A_104, %convert_element_type3A, %broadcast_in_dim3A_106 : vector<256x8192xi1>, vector<256x8192xf32>
    %reduce_sum3A_108 = arith.constant dense<0.000000e+00> : vector<256xf32>
    %reduce_sum3A_109 = vector.multi_reduction <add>, %select_n3A_107, %reduce_sum3A_108 [1] : vector<256x8192xf32> to vector<256xf32>
    %broadcast_in_dim3A_110 = vector.shape_cast %reduce_sum3A_109 : vector<256xf32> to vector<256x1xf32>
    %sub3A_111 = arith.subf %broadcast_in_dim3A_110, %broadcast_in_dim3A_88 : vector<256x1xf32>
    %convert_element_type3A_112 = arith.fptosi %sub3A_111 : vector<256x1xf32> to vector<256x1xi32>
    %jit3A_113 = arith.constant 0 : i32
    %jit3A_114 = arith.constant 8191 : i32
    %max3A_115 = vector.broadcast %jit3A_113 : i32 to vector<256x1xi32>
    %max3A_116 = arith.maxsi %max3A_115, %convert_element_type3A_112 : vector<256x1xi32>
    %min3A_117 = vector.broadcast %jit3A_114 : i32 to vector<256x1xi32>
    %min3A_118 = arith.minsi %min3A_117, %max3A_116 : vector<256x1xi32>
    %jit3A_119 = arith.constant 3.000000e+38 : f32
    %broadcast_in_dim3A_120 = vector.broadcast %jit3A_119 : f32 to vector<256x8192xf32>
    %select_n3A_121 = arith.select %le3A_104, %broadcast_in_dim3A_120, %mul3A_16 : vector<256x8192xi1>, vector<256x8192xf32>
    %reduce_min3A_122 = arith.constant dense<0x7F800000> : vector<256xf32>
    %reduce_min3A_123 = vector.multi_reduction <minimumf>, %select_n3A_121, %reduce_min3A_122 [1] : vector<256x8192xf32> to vector<256xf32>
    %broadcast_in_dim3A_124 = vector.shape_cast %reduce_min3A_123 : vector<256xf32> to vector<256x1xf32>
    %le3A_125 = vector.broadcast %broadcast_in_dim3A_124 : vector<256x1xf32> to vector<256x8192xf32>
    %le3A_126 = arith.cmpf ole, %mul3A_16, %le3A_125 : vector<256x8192xf32>
    %jit3A_127 = arith.constant 0.000000e+00 : f32
    %broadcast_in_dim3A_128 = vector.broadcast %jit3A_127 : f32 to vector<256x8192xf32>
    %select_n3A_129 = arith.select %le3A_126, %convert_element_type3A, %broadcast_in_dim3A_128 : vector<256x8192xi1>, vector<256x8192xf32>
    %reduce_sum3A_130 = arith.constant dense<0.000000e+00> : vector<256xf32>
    %reduce_sum3A_131 = vector.multi_reduction <add>, %select_n3A_129, %reduce_sum3A_130 [1] : vector<256x8192xf32> to vector<256xf32>
    %broadcast_in_dim3A_132 = vector.shape_cast %reduce_sum3A_131 : vector<256xf32> to vector<256x1xf32>
    %sub3A_133 = arith.subf %broadcast_in_dim3A_132, %broadcast_in_dim3A_110 : vector<256x1xf32>
    %convert_element_type3A_134 = arith.fptosi %sub3A_133 : vector<256x1xf32> to vector<256x1xi32>
    %jit3A_135 = arith.constant 0 : i32
    %jit3A_136 = arith.constant 8191 : i32
    %max3A_137 = vector.broadcast %jit3A_135 : i32 to vector<256x1xi32>
    %max3A_138 = arith.maxsi %max3A_137, %convert_element_type3A_134 : vector<256x1xi32>
    %min3A_139 = vector.broadcast %jit3A_136 : i32 to vector<256x1xi32>
    %min3A_140 = arith.minsi %min3A_139, %max3A_138 : vector<256x1xi32>
    %jit3A_141 = arith.constant 3.000000e+38 : f32
    %broadcast_in_dim3A_142 = vector.broadcast %jit3A_141 : f32 to vector<256x8192xf32>
    %select_n3A_143 = arith.select %le3A_126, %broadcast_in_dim3A_142, %mul3A_16 : vector<256x8192xi1>, vector<256x8192xf32>
    %reduce_min3A_144 = arith.constant dense<0x7F800000> : vector<256xf32>
    %reduce_min3A_145 = vector.multi_reduction <minimumf>, %select_n3A_143, %reduce_min3A_144 [1] : vector<256x8192xf32> to vector<256xf32>
    %broadcast_in_dim3A_146 = vector.shape_cast %reduce_min3A_145 : vector<256xf32> to vector<256x1xf32>
    %le3A_147 = vector.broadcast %broadcast_in_dim3A_146 : vector<256x1xf32> to vector<256x8192xf32>
    %le3A_148 = arith.cmpf ole, %mul3A_16, %le3A_147 : vector<256x8192xf32>
    %jit3A_149 = arith.constant 0.000000e+00 : f32
    %broadcast_in_dim3A_150 = vector.broadcast %jit3A_149 : f32 to vector<256x8192xf32>
    %select_n3A_151 = arith.select %le3A_148, %convert_element_type3A, %broadcast_in_dim3A_150 : vector<256x8192xi1>, vector<256x8192xf32>
    %reduce_sum3A_152 = arith.constant dense<0.000000e+00> : vector<256xf32>
    %reduce_sum3A_153 = vector.multi_reduction <add>, %select_n3A_151, %reduce_sum3A_152 [1] : vector<256x8192xf32> to vector<256xf32>
    %broadcast_in_dim3A_154 = vector.shape_cast %reduce_sum3A_153 : vector<256xf32> to vector<256x1xf32>
    %sub3A_155 = arith.subf %broadcast_in_dim3A_154, %broadcast_in_dim3A_132 : vector<256x1xf32>
    %convert_element_type3A_156 = arith.fptosi %sub3A_155 : vector<256x1xf32> to vector<256x1xi32>
    %jit3A_157 = arith.constant 0 : i32
    %jit3A_158 = arith.constant 8191 : i32
    %max3A_159 = vector.broadcast %jit3A_157 : i32 to vector<256x1xi32>
    %max3A_160 = arith.maxsi %max3A_159, %convert_element_type3A_156 : vector<256x1xi32>
    %min3A_161 = vector.broadcast %jit3A_158 : i32 to vector<256x1xi32>
    %min3A_162 = arith.minsi %min3A_161, %max3A_160 : vector<256x1xi32>
    %jit3A_163 = arith.constant 3.000000e+38 : f32
    %broadcast_in_dim3A_164 = vector.broadcast %jit3A_163 : f32 to vector<256x8192xf32>
    %select_n3A_165 = arith.select %le3A_148, %broadcast_in_dim3A_164, %mul3A_16 : vector<256x8192xi1>, vector<256x8192xf32>
    %reduce_min3A_166 = arith.constant dense<0x7F800000> : vector<256xf32>
    %reduce_min3A_167 = vector.multi_reduction <minimumf>, %select_n3A_165, %reduce_min3A_166 [1] : vector<256x8192xf32> to vector<256xf32>
    %broadcast_in_dim3A_168 = vector.shape_cast %reduce_min3A_167 : vector<256xf32> to vector<256x1xf32>
    %le3A_169 = vector.broadcast %broadcast_in_dim3A_168 : vector<256x1xf32> to vector<256x8192xf32>
    %le3A_170 = arith.cmpf ole, %mul3A_16, %le3A_169 : vector<256x8192xf32>
    %jit3A_171 = arith.constant 0.000000e+00 : f32
    %broadcast_in_dim3A_172 = vector.broadcast %jit3A_171 : f32 to vector<256x8192xf32>
    %select_n3A_173 = arith.select %le3A_170, %convert_element_type3A, %broadcast_in_dim3A_172 : vector<256x8192xi1>, vector<256x8192xf32>
    %reduce_sum3A_174 = arith.constant dense<0.000000e+00> : vector<256xf32>
    %reduce_sum3A_175 = vector.multi_reduction <add>, %select_n3A_173, %reduce_sum3A_174 [1] : vector<256x8192xf32> to vector<256xf32>
    %broadcast_in_dim3A_176 = vector.shape_cast %reduce_sum3A_175 : vector<256xf32> to vector<256x1xf32>
    %sub3A_177 = arith.subf %broadcast_in_dim3A_176, %broadcast_in_dim3A_154 : vector<256x1xf32>
    %convert_element_type3A_178 = arith.fptosi %sub3A_177 : vector<256x1xf32> to vector<256x1xi32>
    %jit3A_179 = arith.constant 0 : i32
    %jit3A_180 = arith.constant 8191 : i32
    %max3A_181 = vector.broadcast %jit3A_179 : i32 to vector<256x1xi32>
    %max3A_182 = arith.maxsi %max3A_181, %convert_element_type3A_178 : vector<256x1xi32>
    %min3A_183 = vector.broadcast %jit3A_180 : i32 to vector<256x1xi32>
    %min3A_184 = arith.minsi %min3A_183, %max3A_182 : vector<256x1xi32>
    %get3A_185 = arith.constant 0 : index
    %get3A_186 = arith.constant 0 : index
    %get3A_187 = arith.constant 0 : index
    %get3A_188 = vector.load %arg4[%get3A_185, %get3A_186, %get3A_187] : memref<1x3x256xf32, #tpu.memory_space<vmem>>, vector<1x3x256xf32>
    %get3A_189 = vector.shape_cast %get3A_188 : vector<1x3x256xf32> to vector<3x256xf32>
    %get3A_190 = arith.constant 0 : index
    %get3A_191 = arith.constant 0 : index
    %get3A_192 = arith.constant 0 : index
    %get3A_193 = vector.load %arg5[%get3A_190, %get3A_191, %get3A_192] : memref<1x3x8192xf32, #tpu.memory_space<vmem>>, vector<1x3x8192xf32>
    %get3A_194 = vector.shape_cast %get3A_193 : vector<1x3x8192xf32> to vector<3x8192xf32>
    %dot_general3A_195 = arith.constant dense<0.000000e+00> : vector<256x8192xf32>
    %dot_general3A_196 = tpu.matmul %get3A_189, %get3A_194, %dot_general3A_195 {dimension_numbers = #tpu.dot_dimension_numbers<[0], [0], [1], [1], [0, 1, 1, 1], [], []>, transpose_lhs_hint = false} : vector<3x256xf32>, vector<3x8192xf32>, vector<256x8192xf32> -> vector<256x8192xf32>
    %mul3A_197 = arith.mulf %get3A_194, %get3A_194 : vector<3x8192xf32>
    %reduce_sum3A_198 = arith.constant dense<0.000000e+00> : vector<8192xf32>
    %reduce_sum3A_199 = vector.multi_reduction <add>, %mul3A_197, %reduce_sum3A_198 [0] : vector<3x8192xf32> to vector<8192xf32>
    %broadcast_in_dim3A_200 = vector.shape_cast %reduce_sum3A_199 : vector<8192xf32> to vector<1x8192xf32>
    %mul3A_201 = arith.constant 2.000000e+00 : f32
    %mul3A_202 = vector.broadcast %mul3A_201 : f32 to vector<256x8192xf32>
    %mul3A_203 = arith.mulf %mul3A_202, %dot_general3A_196 : vector<256x8192xf32>
    %sub3A_204 = vector.broadcast %broadcast_in_dim3A_200 : vector<1x8192xf32> to vector<256x8192xf32>
    %sub3A_205 = arith.subf %sub3A_204, %mul3A_203 : vector<256x8192xf32>
    %reduce_min3A_206 = arith.constant dense<0x7F800000> : vector<256xf32>
    %reduce_min3A_207 = vector.multi_reduction <minimumf>, %sub3A_205, %reduce_min3A_206 [1] : vector<256x8192xf32> to vector<256xf32>
    %broadcast_in_dim3A_208 = vector.shape_cast %reduce_min3A_207 : vector<256xf32> to vector<256x1xf32>
    %broadcast_in_dim3A_209 = arith.constant 0.000000e+00 : f32
    %broadcast_in_dim3A_210 = vector.broadcast %broadcast_in_dim3A_209 : f32 to vector<256x1xf32>
    %le3A_211 = vector.broadcast %broadcast_in_dim3A_208 : vector<256x1xf32> to vector<256x8192xf32>
    %le3A_212 = arith.cmpf ole, %sub3A_205, %le3A_211 : vector<256x8192xf32>
    %jit3A_213 = arith.constant 0.000000e+00 : f32
    %broadcast_in_dim3A_214 = vector.broadcast %jit3A_213 : f32 to vector<256x8192xf32>
    %select_n3A_215 = arith.select %le3A_212, %convert_element_type3A, %broadcast_in_dim3A_214 : vector<256x8192xi1>, vector<256x8192xf32>
    %reduce_sum3A_216 = arith.constant dense<0.000000e+00> : vector<256xf32>
    %reduce_sum3A_217 = vector.multi_reduction <add>, %select_n3A_215, %reduce_sum3A_216 [1] : vector<256x8192xf32> to vector<256xf32>
    %broadcast_in_dim3A_218 = vector.shape_cast %reduce_sum3A_217 : vector<256xf32> to vector<256x1xf32>
    %sub3A_219 = arith.subf %broadcast_in_dim3A_218, %broadcast_in_dim3A_210 : vector<256x1xf32>
    %convert_element_type3A_220 = arith.fptosi %sub3A_219 : vector<256x1xf32> to vector<256x1xi32>
    %jit3A_221 = arith.constant 0 : i32
    %jit3A_222 = arith.constant 8191 : i32
    %max3A_223 = vector.broadcast %jit3A_221 : i32 to vector<256x1xi32>
    %max3A_224 = arith.maxsi %max3A_223, %convert_element_type3A_220 : vector<256x1xi32>
    %min3A_225 = vector.broadcast %jit3A_222 : i32 to vector<256x1xi32>
    %min3A_226 = arith.minsi %min3A_225, %max3A_224 : vector<256x1xi32>
    %jit3A_227 = arith.constant 3.000000e+38 : f32
    %broadcast_in_dim3A_228 = vector.broadcast %jit3A_227 : f32 to vector<256x8192xf32>
    %select_n3A_229 = arith.select %le3A_212, %broadcast_in_dim3A_228, %sub3A_205 : vector<256x8192xi1>, vector<256x8192xf32>
    %reduce_min3A_230 = arith.constant dense<0x7F800000> : vector<256xf32>
    %reduce_min3A_231 = vector.multi_reduction <minimumf>, %select_n3A_229, %reduce_min3A_230 [1] : vector<256x8192xf32> to vector<256xf32>
    %broadcast_in_dim3A_232 = vector.shape_cast %reduce_min3A_231 : vector<256xf32> to vector<256x1xf32>
    %le3A_233 = vector.broadcast %broadcast_in_dim3A_232 : vector<256x1xf32> to vector<256x8192xf32>
    %le3A_234 = arith.cmpf ole, %sub3A_205, %le3A_233 : vector<256x8192xf32>
    %jit3A_235 = arith.constant 0.000000e+00 : f32
    %broadcast_in_dim3A_236 = vector.broadcast %jit3A_235 : f32 to vector<256x8192xf32>
    %select_n3A_237 = arith.select %le3A_234, %convert_element_type3A, %broadcast_in_dim3A_236 : vector<256x8192xi1>, vector<256x8192xf32>
    %reduce_sum3A_238 = arith.constant dense<0.000000e+00> : vector<256xf32>
    %reduce_sum3A_239 = vector.multi_reduction <add>, %select_n3A_237, %reduce_sum3A_238 [1] : vector<256x8192xf32> to vector<256xf32>
    %broadcast_in_dim3A_240 = vector.shape_cast %reduce_sum3A_239 : vector<256xf32> to vector<256x1xf32>
    %sub3A_241 = arith.subf %broadcast_in_dim3A_240, %broadcast_in_dim3A_218 : vector<256x1xf32>
    %convert_element_type3A_242 = arith.fptosi %sub3A_241 : vector<256x1xf32> to vector<256x1xi32>
    %jit3A_243 = arith.constant 0 : i32
    %jit3A_244 = arith.constant 8191 : i32
    %max3A_245 = vector.broadcast %jit3A_243 : i32 to vector<256x1xi32>
    %max3A_246 = arith.maxsi %max3A_245, %convert_element_type3A_242 : vector<256x1xi32>
    %min3A_247 = vector.broadcast %jit3A_244 : i32 to vector<256x1xi32>
    %min3A_248 = arith.minsi %min3A_247, %max3A_246 : vector<256x1xi32>
    %jit3A_249 = arith.constant 3.000000e+38 : f32
    %broadcast_in_dim3A_250 = vector.broadcast %jit3A_249 : f32 to vector<256x8192xf32>
    %select_n3A_251 = arith.select %le3A_234, %broadcast_in_dim3A_250, %sub3A_205 : vector<256x8192xi1>, vector<256x8192xf32>
    %reduce_min3A_252 = arith.constant dense<0x7F800000> : vector<256xf32>
    %reduce_min3A_253 = vector.multi_reduction <minimumf>, %select_n3A_251, %reduce_min3A_252 [1] : vector<256x8192xf32> to vector<256xf32>
    %broadcast_in_dim3A_254 = vector.shape_cast %reduce_min3A_253 : vector<256xf32> to vector<256x1xf32>
    %le3A_255 = vector.broadcast %broadcast_in_dim3A_254 : vector<256x1xf32> to vector<256x8192xf32>
    %le3A_256 = arith.cmpf ole, %sub3A_205, %le3A_255 : vector<256x8192xf32>
    %jit3A_257 = arith.constant 0.000000e+00 : f32
    %broadcast_in_dim3A_258 = vector.broadcast %jit3A_257 : f32 to vector<256x8192xf32>
    %select_n3A_259 = arith.select %le3A_256, %convert_element_type3A, %broadcast_in_dim3A_258 : vector<256x8192xi1>, vector<256x8192xf32>
    %reduce_sum3A_260 = arith.constant dense<0.000000e+00> : vector<256xf32>
    %reduce_sum3A_261 = vector.multi_reduction <add>, %select_n3A_259, %reduce_sum3A_260 [1] : vector<256x8192xf32> to vector<256xf32>
    %broadcast_in_dim3A_262 = vector.shape_cast %reduce_sum3A_261 : vector<256xf32> to vector<256x1xf32>
    %sub3A_263 = arith.subf %broadcast_in_dim3A_262, %broadcast_in_dim3A_240 : vector<256x1xf32>
    %convert_element_type3A_264 = arith.fptosi %sub3A_263 : vector<256x1xf32> to vector<256x1xi32>
    %jit3A_265 = arith.constant 0 : i32
    %jit3A_266 = arith.constant 8191 : i32
    %max3A_267 = vector.broadcast %jit3A_265 : i32 to vector<256x1xi32>
    %max3A_268 = arith.maxsi %max3A_267, %convert_element_type3A_264 : vector<256x1xi32>
    %min3A_269 = vector.broadcast %jit3A_266 : i32 to vector<256x1xi32>
    %min3A_270 = arith.minsi %min3A_269, %max3A_268 : vector<256x1xi32>
    %jit3A_271 = arith.constant 3.000000e+38 : f32
    %broadcast_in_dim3A_272 = vector.broadcast %jit3A_271 : f32 to vector<256x8192xf32>
    %select_n3A_273 = arith.select %le3A_256, %broadcast_in_dim3A_272, %sub3A_205 : vector<256x8192xi1>, vector<256x8192xf32>
    %reduce_min3A_274 = arith.constant dense<0x7F800000> : vector<256xf32>
    %reduce_min3A_275 = vector.multi_reduction <minimumf>, %select_n3A_273, %reduce_min3A_274 [1] : vector<256x8192xf32> to vector<256xf32>
    %broadcast_in_dim3A_276 = vector.shape_cast %reduce_min3A_275 : vector<256xf32> to vector<256x1xf32>
    %le3A_277 = vector.broadcast %broadcast_in_dim3A_276 : vector<256x1xf32> to vector<256x8192xf32>
    %le3A_278 = arith.cmpf ole, %sub3A_205, %le3A_277 : vector<256x8192xf32>
    %jit3A_279 = arith.constant 0.000000e+00 : f32
    %broadcast_in_dim3A_280 = vector.broadcast %jit3A_279 : f32 to vector<256x8192xf32>
    %select_n3A_281 = arith.select %le3A_278, %convert_element_type3A, %broadcast_in_dim3A_280 : vector<256x8192xi1>, vector<256x8192xf32>
    %reduce_sum3A_282 = arith.constant dense<0.000000e+00> : vector<256xf32>
    %reduce_sum3A_283 = vector.multi_reduction <add>, %select_n3A_281, %reduce_sum3A_282 [1] : vector<256x8192xf32> to vector<256xf32>
    %broadcast_in_dim3A_284 = vector.shape_cast %reduce_sum3A_283 : vector<256xf32> to vector<256x1xf32>
    %sub3A_285 = arith.subf %broadcast_in_dim3A_284, %broadcast_in_dim3A_262 : vector<256x1xf32>
    %convert_element_type3A_286 = arith.fptosi %sub3A_285 : vector<256x1xf32> to vector<256x1xi32>
    %jit3A_287 = arith.constant 0 : i32
    %jit3A_288 = arith.constant 8191 : i32
    %max3A_289 = vector.broadcast %jit3A_287 : i32 to vector<256x1xi32>
    %max3A_290 = arith.maxsi %max3A_289, %convert_element_type3A_286 : vector<256x1xi32>
    %min3A_291 = vector.broadcast %jit3A_288 : i32 to vector<256x1xi32>
    %min3A_292 = arith.minsi %min3A_291, %max3A_290 : vector<256x1xi32>
    %jit3A_293 = arith.constant 3.000000e+38 : f32
    %broadcast_in_dim3A_294 = vector.broadcast %jit3A_293 : f32 to vector<256x8192xf32>
    %select_n3A_295 = arith.select %le3A_278, %broadcast_in_dim3A_294, %sub3A_205 : vector<256x8192xi1>, vector<256x8192xf32>
    %reduce_min3A_296 = arith.constant dense<0x7F800000> : vector<256xf32>
    %reduce_min3A_297 = vector.multi_reduction <minimumf>, %select_n3A_295, %reduce_min3A_296 [1] : vector<256x8192xf32> to vector<256xf32>
    %broadcast_in_dim3A_298 = vector.shape_cast %reduce_min3A_297 : vector<256xf32> to vector<256x1xf32>
    %le3A_299 = vector.broadcast %broadcast_in_dim3A_298 : vector<256x1xf32> to vector<256x8192xf32>
    %le3A_300 = arith.cmpf ole, %sub3A_205, %le3A_299 : vector<256x8192xf32>
    %jit3A_301 = arith.constant 0.000000e+00 : f32
    %broadcast_in_dim3A_302 = vector.broadcast %jit3A_301 : f32 to vector<256x8192xf32>
    %select_n3A_303 = arith.select %le3A_300, %convert_element_type3A, %broadcast_in_dim3A_302 : vector<256x8192xi1>, vector<256x8192xf32>
    %reduce_sum3A_304 = arith.constant dense<0.000000e+00> : vector<256xf32>
    %reduce_sum3A_305 = vector.multi_reduction <add>, %select_n3A_303, %reduce_sum3A_304 [1] : vector<256x8192xf32> to vector<256xf32>
    %broadcast_in_dim3A_306 = vector.shape_cast %reduce_sum3A_305 : vector<256xf32> to vector<256x1xf32>
    %sub3A_307 = arith.subf %broadcast_in_dim3A_306, %broadcast_in_dim3A_284 : vector<256x1xf32>
    %convert_element_type3A_308 = arith.fptosi %sub3A_307 : vector<256x1xf32> to vector<256x1xi32>
    %jit3A_309 = arith.constant 0 : i32
    %jit3A_310 = arith.constant 8191 : i32
    %max3A_311 = vector.broadcast %jit3A_309 : i32 to vector<256x1xi32>
    %max3A_312 = arith.maxsi %max3A_311, %convert_element_type3A_308 : vector<256x1xi32>
    %min3A_313 = vector.broadcast %jit3A_310 : i32 to vector<256x1xi32>
    %min3A_314 = arith.minsi %min3A_313, %max3A_312 : vector<256x1xi32>
    %jit3A_315 = arith.constant 3.000000e+38 : f32
    %broadcast_in_dim3A_316 = vector.broadcast %jit3A_315 : f32 to vector<256x8192xf32>
    %select_n3A_317 = arith.select %le3A_300, %broadcast_in_dim3A_316, %sub3A_205 : vector<256x8192xi1>, vector<256x8192xf32>
    %reduce_min3A_318 = arith.constant dense<0x7F800000> : vector<256xf32>
    %reduce_min3A_319 = vector.multi_reduction <minimumf>, %select_n3A_317, %reduce_min3A_318 [1] : vector<256x8192xf32> to vector<256xf32>
    %broadcast_in_dim3A_320 = vector.shape_cast %reduce_min3A_319 : vector<256xf32> to vector<256x1xf32>
    %le3A_321 = vector.broadcast %broadcast_in_dim3A_320 : vector<256x1xf32> to vector<256x8192xf32>
    %le3A_322 = arith.cmpf ole, %sub3A_205, %le3A_321 : vector<256x8192xf32>
    %jit3A_323 = arith.constant 0.000000e+00 : f32
    %broadcast_in_dim3A_324 = vector.broadcast %jit3A_323 : f32 to vector<256x8192xf32>
    %select_n3A_325 = arith.select %le3A_322, %convert_element_type3A, %broadcast_in_dim3A_324 : vector<256x8192xi1>, vector<256x8192xf32>
    %reduce_sum3A_326 = arith.constant dense<0.000000e+00> : vector<256xf32>
    %reduce_sum3A_327 = vector.multi_reduction <add>, %select_n3A_325, %reduce_sum3A_326 [1] : vector<256x8192xf32> to vector<256xf32>
    %broadcast_in_dim3A_328 = vector.shape_cast %reduce_sum3A_327 : vector<256xf32> to vector<256x1xf32>
    %sub3A_329 = arith.subf %broadcast_in_dim3A_328, %broadcast_in_dim3A_306 : vector<256x1xf32>
    %convert_element_type3A_330 = arith.fptosi %sub3A_329 : vector<256x1xf32> to vector<256x1xi32>
    %jit3A_331 = arith.constant 0 : i32
    %jit3A_332 = arith.constant 8191 : i32
    %max3A_333 = vector.broadcast %jit3A_331 : i32 to vector<256x1xi32>
    %max3A_334 = arith.maxsi %max3A_333, %convert_element_type3A_330 : vector<256x1xi32>
    %min3A_335 = vector.broadcast %jit3A_332 : i32 to vector<256x1xi32>
    %min3A_336 = arith.minsi %min3A_335, %max3A_334 : vector<256x1xi32>
    %jit3A_337 = arith.constant 3.000000e+38 : f32
    %broadcast_in_dim3A_338 = vector.broadcast %jit3A_337 : f32 to vector<256x8192xf32>
    %select_n3A_339 = arith.select %le3A_322, %broadcast_in_dim3A_338, %sub3A_205 : vector<256x8192xi1>, vector<256x8192xf32>
    %reduce_min3A_340 = arith.constant dense<0x7F800000> : vector<256xf32>
    %reduce_min3A_341 = vector.multi_reduction <minimumf>, %select_n3A_339, %reduce_min3A_340 [1] : vector<256x8192xf32> to vector<256xf32>
    %broadcast_in_dim3A_342 = vector.shape_cast %reduce_min3A_341 : vector<256xf32> to vector<256x1xf32>
    %le3A_343 = vector.broadcast %broadcast_in_dim3A_342 : vector<256x1xf32> to vector<256x8192xf32>
    %le3A_344 = arith.cmpf ole, %sub3A_205, %le3A_343 : vector<256x8192xf32>
    %jit3A_345 = arith.constant 0.000000e+00 : f32
    %broadcast_in_dim3A_346 = vector.broadcast %jit3A_345 : f32 to vector<256x8192xf32>
    %select_n3A_347 = arith.select %le3A_344, %convert_element_type3A, %broadcast_in_dim3A_346 : vector<256x8192xi1>, vector<256x8192xf32>
    %reduce_sum3A_348 = arith.constant dense<0.000000e+00> : vector<256xf32>
    %reduce_sum3A_349 = vector.multi_reduction <add>, %select_n3A_347, %reduce_sum3A_348 [1] : vector<256x8192xf32> to vector<256xf32>
    %broadcast_in_dim3A_350 = vector.shape_cast %reduce_sum3A_349 : vector<256xf32> to vector<256x1xf32>
    %sub3A_351 = arith.subf %broadcast_in_dim3A_350, %broadcast_in_dim3A_328 : vector<256x1xf32>
    %convert_element_type3A_352 = arith.fptosi %sub3A_351 : vector<256x1xf32> to vector<256x1xi32>
    %jit3A_353 = arith.constant 0 : i32
    %jit3A_354 = arith.constant 8191 : i32
    %max3A_355 = vector.broadcast %jit3A_353 : i32 to vector<256x1xi32>
    %max3A_356 = arith.maxsi %max3A_355, %convert_element_type3A_352 : vector<256x1xi32>
    %min3A_357 = vector.broadcast %jit3A_354 : i32 to vector<256x1xi32>
    %min3A_358 = arith.minsi %min3A_357, %max3A_356 : vector<256x1xi32>
    %jit3A_359 = arith.constant 3.000000e+38 : f32
    %broadcast_in_dim3A_360 = vector.broadcast %jit3A_359 : f32 to vector<256x8192xf32>
    %select_n3A_361 = arith.select %le3A_344, %broadcast_in_dim3A_360, %sub3A_205 : vector<256x8192xi1>, vector<256x8192xf32>
    %reduce_min3A_362 = arith.constant dense<0x7F800000> : vector<256xf32>
    %reduce_min3A_363 = vector.multi_reduction <minimumf>, %select_n3A_361, %reduce_min3A_362 [1] : vector<256x8192xf32> to vector<256xf32>
    %broadcast_in_dim3A_364 = vector.shape_cast %reduce_min3A_363 : vector<256xf32> to vector<256x1xf32>
    %le3A_365 = vector.broadcast %broadcast_in_dim3A_364 : vector<256x1xf32> to vector<256x8192xf32>
    %le3A_366 = arith.cmpf ole, %sub3A_205, %le3A_365 : vector<256x8192xf32>
    %jit3A_367 = arith.constant 0.000000e+00 : f32
    %broadcast_in_dim3A_368 = vector.broadcast %jit3A_367 : f32 to vector<256x8192xf32>
    %select_n3A_369 = arith.select %le3A_366, %convert_element_type3A, %broadcast_in_dim3A_368 : vector<256x8192xi1>, vector<256x8192xf32>
    %reduce_sum3A_370 = arith.constant dense<0.000000e+00> : vector<256xf32>
    %reduce_sum3A_371 = vector.multi_reduction <add>, %select_n3A_369, %reduce_sum3A_370 [1] : vector<256x8192xf32> to vector<256xf32>
    %broadcast_in_dim3A_372 = vector.shape_cast %reduce_sum3A_371 : vector<256xf32> to vector<256x1xf32>
    %sub3A_373 = arith.subf %broadcast_in_dim3A_372, %broadcast_in_dim3A_350 : vector<256x1xf32>
    %convert_element_type3A_374 = arith.fptosi %sub3A_373 : vector<256x1xf32> to vector<256x1xi32>
    %jit3A_375 = arith.constant 0 : i32
    %jit3A_376 = arith.constant 8191 : i32
    %max3A_377 = vector.broadcast %jit3A_375 : i32 to vector<256x1xi32>
    %max3A_378 = arith.maxsi %max3A_377, %convert_element_type3A_374 : vector<256x1xi32>
    %min3A_379 = vector.broadcast %jit3A_376 : i32 to vector<256x1xi32>
    %min3A_380 = arith.minsi %min3A_379, %max3A_378 : vector<256x1xi32>
    %concatenate3A = tpu.concatenate %min3A_30, %min3A_52, %min3A_74, %min3A_96, %min3A_118, %min3A_140, %min3A_162, %min3A_184, %min3A_226, %min3A_248, %min3A_270, %min3A_292, %min3A_314, %min3A_336, %min3A_358, %min3A_380 in 1 : vector<256x1xi32>, vector<256x1xi32>, vector<256x1xi32>, vector<256x1xi32>, vector<256x1xi32>, vector<256x1xi32>, vector<256x1xi32>, vector<256x1xi32>, vector<256x1xi32>, vector<256x1xi32>, vector<256x1xi32>, vector<256x1xi32>, vector<256x1xi32>, vector<256x1xi32>, vector<256x1xi32>, vector<256x1xi32> -> vector<256x16xi32>
    %mul3A_381 = arith.constant 8192 : i32
    %mul3A_382 = arith.muli %arg0, %mul3A_381 : i32
    %add3A_383 = vector.broadcast %mul3A_382 : i32 to vector<256x16xi32>
    %add3A_384 = arith.addi %concatenate3A, %add3A_383 : vector<256x16xi32>
    %swap3A = arith.constant 0 : index
    %swap3A_385 = arith.constant 0 : index
    %swap3A_386 = arith.constant 0 : index
    %swap3A_387 = vector.load %arg6[%swap3A, %swap3A_385, %swap3A_386] : memref<1x256x16xi32, #tpu.memory_space<vmem>>, vector<1x256x16xi32>
    %swap3A_388 = vector.shape_cast %swap3A_387 : vector<1x256x16xi32> to vector<256x16xi32>
    %swap3A_389 = vector.shape_cast %add3A_384 : vector<256x16xi32> to vector<1x256x16xi32>
    tpu.vector_store %arg6[%swap3A, %swap3A_385, %swap3A_386], %swap3A_389 {strides = array<i32>} : memref<1x256x16xi32, #tpu.memory_space<vmem>>, vector<1x256x16xi32>,
    return
  }
  func.func @transform_0(%arg0: i32, %arg1: i32) -> (i32, i32, i32) {
    %c0_i32 = arith.constant 0 : i32
    %c0_i32_0 = arith.constant 0 : i32
    return %arg0, %c0_i32, %arg1 : i32, i32, i32
  }
  func.func @transform_1(%arg0: i32, %arg1: i32) -> (i32, i32, i32) {
    %c0_i32 = arith.constant 0 : i32
    %c0_i32_0 = arith.constant 0 : i32
    %c0_i32_1 = arith.constant 0 : i32
    return %arg0, %c0_i32, %c0_i32_0 : i32, i32, i32
  }
  func.func @transform_2(%arg0: i32, %arg1: i32) -> (i32, i32, i32) {
    %c0_i32 = arith.constant 0 : i32
    %c0_i32_0 = arith.constant 0 : i32
    return %arg0, %c0_i32, %arg1 : i32, i32, i32
  }
  func.func @transform_3(%arg0: i32, %arg1: i32) -> (i32, i32, i32) {
    %c0_i32 = arith.constant 0 : i32
    %c0_i32_0 = arith.constant 0 : i32
    %c0_i32_1 = arith.constant 0 : i32
    return %arg0, %c0_i32, %c0_i32_0 : i32, i32, i32
  }
  func.func @transform_4(%arg0: i32, %arg1: i32) -> (i32, i32, i32) {
    %c0_i32 = arith.constant 0 : i32
    %c0_i32_0 = arith.constant 0 : i32
    return %arg0, %arg1, %c0_i32 : i32, i32, i32
  }
}

module attributes {stable_mosaic.version = 14 : i64} {
  func.func @_gru_body(%arg0: i32, %arg1: i32, %arg2: memref<1x4096x128xf32, #tpu.memory_space<vmem>>, %arg3: memref<1x256x64xf32, #tpu.memory_space<vmem>>, %arg4: memref<1x256x3xf32, #tpu.memory_space<vmem>>, %arg5: memref<1x64x3xf32, #tpu.memory_space<vmem>>, %arg6: memref<1x1x64xf32, #tpu.memory_space<vmem>>, %arg7: memref<1x64x64xf32, #tpu.memory_space<vmem>>, %arg8: memref<1x1x64xf32, #tpu.memory_space<vmem>>, %arg9: memref<1x64x64xf32, #tpu.memory_space<vmem>>, %arg10: memref<1x1x64xf32, #tpu.memory_space<vmem>>, %arg11: memref<1x64x3xf32, #tpu.memory_space<vmem>>, %arg12: memref<1x1x64xf32, #tpu.memory_space<vmem>>, %arg13: memref<1x64x64xf32, #tpu.memory_space<vmem>>, %arg14: memref<1x1x64xf32, #tpu.memory_space<vmem>>, %arg15: memref<1x64x64xf32, #tpu.memory_space<vmem>>, %arg16: memref<1x1x64xf32, #tpu.memory_space<vmem>>, %arg17: memref<1x64x3xf32, #tpu.memory_space<vmem>>, %arg18: memref<1x1x64xf32, #tpu.memory_space<vmem>>, %arg19: memref<1x64x64xf32, #tpu.memory_space<vmem>>, %arg20: memref<1x1x64xf32, #tpu.memory_space<vmem>>, %arg21: memref<1x64x64xf32, #tpu.memory_space<vmem>>, %arg22: memref<1x1x64xf32, #tpu.memory_space<vmem>>, %arg23: memref<1x64x64xf32, #tpu.memory_space<vmem>>, %arg24: memref<1x64x64xf32, #tpu.memory_space<vmem>>, %arg25: memref<1x64x64xf32, #tpu.memory_space<vmem>>, %arg26: memref<1x64x64xf32, #tpu.memory_space<vmem>>, %arg27: memref<1x64x64xf32, #tpu.memory_space<vmem>>, %arg28: memref<1x64x64xf32, #tpu.memory_space<vmem>>, %arg29: memref<1x256x64xf32, #tpu.memory_space<vmem>>) attributes {dimension_semantics = [#tpu.dimension_semantics<arbitrary>, #tpu.dimension_semantics<arbitrary>], iteration_bounds = array<i64: 1, 8>, scalar_prefetch = 0 : i64, scratch_operands = 0 : i64, tpu.core_type = #tpu.core_type<tc>, window_params = [{transform_indices = @transform_0, window_bounds = array<i64: 1, 4096, 128>}, {transform_indices = @transform_1, window_bounds = array<i64: 1, 256, 64>}, {transform_indices = @transform_2, window_bounds = array<i64: 1, 256, 3>}, {pipeline_mode = #tpu.pipeline_mode<synchronous>, transform_indices = @transform_3, window_bounds = array<i64: 1, 64, 3>}, {pipeline_mode = #tpu.pipeline_mode<synchronous>, transform_indices = @transform_4, window_bounds = array<i64: 1, 1, 64>}, {pipeline_mode = #tpu.pipeline_mode<synchronous>, transform_indices = @transform_5, window_bounds = array<i64: 1, 64, 64>}, {pipeline_mode = #tpu.pipeline_mode<synchronous>, transform_indices = @transform_6, window_bounds = array<i64: 1, 1, 64>}, {pipeline_mode = #tpu.pipeline_mode<synchronous>, transform_indices = @transform_7, window_bounds = array<i64: 1, 64, 64>}, {pipeline_mode = #tpu.pipeline_mode<synchronous>, transform_indices = @transform_8, window_bounds = array<i64: 1, 1, 64>}, {pipeline_mode = #tpu.pipeline_mode<synchronous>, transform_indices = @transform_9, window_bounds = array<i64: 1, 64, 3>}, {pipeline_mode = #tpu.pipeline_mode<synchronous>, transform_indices = @transform_10, window_bounds = array<i64: 1, 1, 64>}, {pipeline_mode = #tpu.pipeline_mode<synchronous>, transform_indices = @transform_11, window_bounds = array<i64: 1, 64, 64>}, {pipeline_mode = #tpu.pipeline_mode<synchronous>, transform_indices = @transform_12, window_bounds = array<i64: 1, 1, 64>}, {pipeline_mode = #tpu.pipeline_mode<synchronous>, transform_indices = @transform_13, window_bounds = array<i64: 1, 64, 64>}, {pipeline_mode = #tpu.pipeline_mode<synchronous>, transform_indices = @transform_14, window_bounds = array<i64: 1, 1, 64>}, {pipeline_mode = #tpu.pipeline_mode<synchronous>, transform_indices = @transform_15, window_bounds = array<i64: 1, 64, 3>}, {pipeline_mode = #tpu.pipeline_mode<synchronous>, transform_indices = @transform_16, window_bounds = array<i64: 1, 1, 64>}, {pipeline_mode = #tpu.pipeline_mode<synchronous>, transform_indices = @transform_17, window_bounds = array<i64: 1, 64, 64>}, {pipeline_mode = #tpu.pipeline_mode<synchronous>, transform_indices = @transform_18, window_bounds = array<i64: 1, 1, 64>}, {pipeline_mode = #tpu.pipeline_mode<synchronous>, transform_indices = @transform_19, window_bounds = array<i64: 1, 64, 64>}, {pipeline_mode = #tpu.pipeline_mode<synchronous>, transform_indices = @transform_20, window_bounds = array<i64: 1, 1, 64>}, {pipeline_mode = #tpu.pipeline_mode<synchronous>, transform_indices = @transform_21, window_bounds = array<i64: 1, 64, 64>}, {pipeline_mode = #tpu.pipeline_mode<synchronous>, transform_indices = @transform_22, window_bounds = array<i64: 1, 64, 64>}, {pipeline_mode = #tpu.pipeline_mode<synchronous>, transform_indices = @transform_23, window_bounds = array<i64: 1, 64, 64>}, {pipeline_mode = #tpu.pipeline_mode<synchronous>, transform_indices = @transform_24, window_bounds = array<i64: 1, 64, 64>}, {pipeline_mode = #tpu.pipeline_mode<synchronous>, transform_indices = @transform_25, window_bounds = array<i64: 1, 64, 64>}, {pipeline_mode = #tpu.pipeline_mode<synchronous>, transform_indices = @transform_26, window_bounds = array<i64: 1, 64, 64>}, {transform_indices = @transform_27, window_bounds = array<i64: 1, 256, 64>}]} {
    %get3A = arith.constant 0 : index
    %get3A_0 = arith.constant 0 : index
    %get3A_1 = arith.constant 0 : index
    %get3A_2 = vector.load %arg2[%get3A, %get3A_0, %get3A_1] : memref<1x4096x128xf32, #tpu.memory_space<vmem>>, vector<1x4096x128xf32>
    %get3A_3 = vector.shape_cast %get3A_2 : vector<1x4096x128xf32> to vector<4096x128xf32>
    %slice3A = vector.extract_strided_slice %get3A_3 {offsets = [0, 0], sizes = [4096, 3], strides = [1, 1]} : vector<4096x128xf32> to vector<4096x3xf32>
    %slice3A_4 = vector.extract_strided_slice %get3A_3 {offsets = [0, 3], sizes = [4096, 64], strides = [1, 1]} : vector<4096x128xf32> to vector<4096x64xf32>
    %get3A_5 = arith.constant 0 : index
    %get3A_6 = arith.constant 0 : index
    %get3A_7 = arith.constant 0 : index
    %get3A_8 = vector.load %arg4[%get3A_5, %get3A_6, %get3A_7] : memref<1x256x3xf32, #tpu.memory_space<vmem>>, vector<1x256x3xf32>
    %get3A_9 = vector.shape_cast %get3A_8 : vector<1x256x3xf32> to vector<256x3xf32>
    %get3A_10 = arith.constant 0 : index
    %get3A_11 = arith.constant 0 : index
    %get3A_12 = arith.constant 0 : index
    %get3A_13 = vector.load %arg3[%get3A_10, %get3A_11, %get3A_12] : memref<1x256x64xf32, #tpu.memory_space<vmem>>, vector<1x256x64xf32>
    %get3A_14 = vector.shape_cast %get3A_13 : vector<1x256x64xf32> to vector<256x64xf32>
    %broadcast_in_dim3A = vector.shape_cast %get3A_9 : vector<256x3xf32> to vector<256x1x3xf32>
    %broadcast_in_dim3A_15 = vector.shape_cast %broadcast_in_dim3A : vector<256x1x3xf32> to vector<256x1x3xf32>
    %broadcast_in_dim3A_16 = vector.broadcast %broadcast_in_dim3A_15 : vector<256x1x3xf32> to vector<256x16x3xf32>
    %reshape3A = vector.shape_cast %broadcast_in_dim3A_16 : vector<256x16x3xf32> to vector<4096x3xf32>
    %sub3A = arith.subf %slice3A, %reshape3A : vector<4096x3xf32>
    %get3A_17 = arith.constant 0 : index
    %get3A_18 = arith.constant 0 : index
    %get3A_19 = arith.constant 0 : index
    %get3A_20 = vector.load %arg26[%get3A_17, %get3A_18, %get3A_19] : memref<1x64x64xf32, #tpu.memory_space<vmem>>, vector<1x64x64xf32>
    %get3A_21 = vector.shape_cast %get3A_20 : vector<1x64x64xf32> to vector<64x64xf32>
    %get3A_22 = arith.constant 0 : index
    %get3A_23 = arith.constant 0 : index
    %get3A_24 = arith.constant 0 : index
    %get3A_25 = vector.load %arg27[%get3A_22, %get3A_23, %get3A_24] : memref<1x64x64xf32, #tpu.memory_space<vmem>>, vector<1x64x64xf32>
    %get3A_26 = vector.shape_cast %get3A_25 : vector<1x64x64xf32> to vector<64x64xf32>
    %get3A_27 = arith.constant 0 : index
    %get3A_28 = arith.constant 0 : index
    %get3A_29 = arith.constant 0 : index
    %get3A_30 = vector.load %arg28[%get3A_27, %get3A_28, %get3A_29] : memref<1x64x64xf32, #tpu.memory_space<vmem>>, vector<1x64x64xf32>
    %get3A_31 = vector.shape_cast %get3A_30 : vector<1x64x64xf32> to vector<64x64xf32>
    %concatenate3A = tpu.concatenate %get3A_21, %get3A_26, %get3A_31 in 0 : vector<64x64xf32>, vector<64x64xf32>, vector<64x64xf32> -> vector<192x64xf32>
    %dot_general3A = arith.constant dense<0.000000e+00> : vector<4096x192xf32>
    %dot_general3A_32 = tpu.matmul %slice3A_4, %concatenate3A, %dot_general3A {dimension_numbers = #tpu.dot_dimension_numbers<[1], [1], [0], [0], [0, 0, 1, 0], [], []>, transpose_lhs_hint = false} : vector<4096x64xf32>, vector<192x64xf32>, vector<4096x192xf32> -> vector<4096x192xf32>
    %get3A_33 = arith.constant 0 : index
    %get3A_34 = arith.constant 0 : index
    %get3A_35 = arith.constant 0 : index
    %get3A_36 = vector.load %arg5[%get3A_33, %get3A_34, %get3A_35] : memref<1x64x3xf32, #tpu.memory_space<vmem>>, vector<1x64x3xf32>
    %get3A_37 = vector.shape_cast %get3A_36 : vector<1x64x3xf32> to vector<64x3xf32>
    %get3A_38 = arith.constant 0 : index
    %get3A_39 = arith.constant 0 : index
    %get3A_40 = arith.constant 0 : index
    %get3A_41 = vector.load %arg11[%get3A_38, %get3A_39, %get3A_40] : memref<1x64x3xf32, #tpu.memory_space<vmem>>, vector<1x64x3xf32>
    %get3A_42 = vector.shape_cast %get3A_41 : vector<1x64x3xf32> to vector<64x3xf32>
    %get3A_43 = arith.constant 0 : index
    %get3A_44 = arith.constant 0 : index
    %get3A_45 = arith.constant 0 : index
    %get3A_46 = vector.load %arg17[%get3A_43, %get3A_44, %get3A_45] : memref<1x64x3xf32, #tpu.memory_space<vmem>>, vector<1x64x3xf32>
    %get3A_47 = vector.shape_cast %get3A_46 : vector<1x64x3xf32> to vector<64x3xf32>
    %concatenate3A_48 = tpu.concatenate %get3A_37, %get3A_42, %get3A_47 in 0 : vector<64x3xf32>, vector<64x3xf32>, vector<64x3xf32> -> vector<192x3xf32>
    %dot_general3A_49 = arith.constant dense<0.000000e+00> : vector<4096x192xf32>
    %dot_general3A_50 = tpu.matmul %sub3A, %concatenate3A_48, %dot_general3A_49 {dimension_numbers = #tpu.dot_dimension_numbers<[1], [1], [0], [0], [0, 0, 1, 0], [], []>, transpose_lhs_hint = false} : vector<4096x3xf32>, vector<192x3xf32>, vector<4096x192xf32> -> vector<4096x192xf32>
    %get3A_51 = arith.constant 0 : index
    %get3A_52 = arith.constant 0 : index
    %get3A_53 = arith.constant 0 : index
    %get3A_54 = vector.load %arg23[%get3A_51, %get3A_52, %get3A_53] : memref<1x64x64xf32, #tpu.memory_space<vmem>>, vector<1x64x64xf32>
    %get3A_55 = vector.shape_cast %get3A_54 : vector<1x64x64xf32> to vector<64x64xf32>
    %get3A_56 = arith.constant 0 : index
    %get3A_57 = arith.constant 0 : index
    %get3A_58 = arith.constant 0 : index
    %get3A_59 = vector.load %arg25[%get3A_56, %get3A_57, %get3A_58] : memref<1x64x64xf32, #tpu.memory_space<vmem>>, vector<1x64x64xf32>
    %get3A_60 = vector.shape_cast %get3A_59 : vector<1x64x64xf32> to vector<64x64xf32>
    %get3A_61 = arith.constant 0 : index
    %get3A_62 = arith.constant 0 : index
    %get3A_63 = arith.constant 0 : index
    %get3A_64 = vector.load %arg24[%get3A_61, %get3A_62, %get3A_63] : memref<1x64x64xf32, #tpu.memory_space<vmem>>, vector<1x64x64xf32>
    %get3A_65 = vector.shape_cast %get3A_64 : vector<1x64x64xf32> to vector<64x64xf32>
    %concatenate3A_66 = tpu.concatenate %get3A_55, %get3A_60, %get3A_65 in 0 : vector<64x64xf32>, vector<64x64xf32>, vector<64x64xf32> -> vector<192x64xf32>
    %dot_general3A_67 = arith.constant dense<0.000000e+00> : vector<256x192xf32>
    %dot_general3A_68 = tpu.matmul %get3A_14, %concatenate3A_66, %dot_general3A_67 {dimension_numbers = #tpu.dot_dimension_numbers<[1], [1], [0], [0], [0, 0, 1, 0], [], []>, transpose_lhs_hint = false} : vector<256x64xf32>, vector<192x64xf32>, vector<256x192xf32> -> vector<256x192xf32>
    %slice3A_69 = vector.extract_strided_slice %dot_general3A_50 {offsets = [0, 0], sizes = [4096, 128], strides = [1, 1]} : vector<4096x192xf32> to vector<4096x128xf32>
    %get3A_70 = arith.constant 0 : index
    %get3A_71 = arith.constant 0 : index
    %get3A_72 = arith.constant 0 : index
    %get3A_73 = vector.load %arg6[%get3A_70, %get3A_71, %get3A_72] : memref<1x1x64xf32, #tpu.memory_space<vmem>>, vector<1x1x64xf32>
    %get3A_74 = vector.shape_cast %get3A_73 : vector<1x1x64xf32> to vector<1x64xf32>
    %get3A_75 = arith.constant 0 : index
    %get3A_76 = arith.constant 0 : index
    %get3A_77 = arith.constant 0 : index
    %get3A_78 = vector.load %arg12[%get3A_75, %get3A_76, %get3A_77] : memref<1x1x64xf32, #tpu.memory_space<vmem>>, vector<1x1x64xf32>
    %get3A_79 = vector.shape_cast %get3A_78 : vector<1x1x64xf32> to vector<1x64xf32>
    %concatenate3A_80 = tpu.concatenate %get3A_74, %get3A_79 in 1 : vector<1x64xf32>, vector<1x64xf32> -> vector<1x128xf32>
    %add3A = vector.broadcast %concatenate3A_80 : vector<1x128xf32> to vector<4096x128xf32>
    %add3A_81 = arith.addf %slice3A_69, %add3A : vector<4096x128xf32>
    %slice3A_82 = vector.extract_strided_slice %dot_general3A_32 {offsets = [0, 0], sizes = [4096, 128], strides = [1, 1]} : vector<4096x192xf32> to vector<4096x128xf32>
    %add3A_83 = arith.addf %add3A_81, %slice3A_82 : vector<4096x128xf32>
    %reshape3A_84 = vector.shape_cast %add3A_83 : vector<4096x128xf32> to vector<256x16x128xf32>
    %slice3A_85 = vector.extract_strided_slice %dot_general3A_68 {offsets = [0, 0], sizes = [256, 128], strides = [1, 1]} : vector<256x192xf32> to vector<256x128xf32>
    %broadcast_in_dim3A_86 = vector.shape_cast %slice3A_85 : vector<256x128xf32> to vector<256x1x128xf32>
    %add3A_87 = vector.broadcast %broadcast_in_dim3A_86 : vector<256x1x128xf32> to vector<256x16x128xf32>
    %add3A_88 = arith.addf %reshape3A_84, %add3A_87 : vector<256x16x128xf32>
    %ge3A = arith.constant 0.000000e+00 : f32
    %ge3A_89 = vector.broadcast %ge3A : f32 to vector<256x16x128xf32>
    %ge3A_90 = arith.cmpf oge, %add3A_88, %ge3A_89 : vector<256x16x128xf32>
    %mul3A = arith.constant 1.000000e-01 : f32
    %mul3A_91 = vector.broadcast %mul3A : f32 to vector<256x16x128xf32>
    %mul3A_92 = arith.mulf %mul3A_91, %add3A_88 : vector<256x16x128xf32>
    %select_n3A = arith.select %ge3A_90, %add3A_88, %mul3A_92 : vector<256x16x128xi1>, vector<256x16x128xf32>
    %reshape3A_93 = vector.shape_cast %select_n3A : vector<256x16x128xf32> to vector<4096x128xf32>
    %get3A_94 = arith.constant 0 : index
    %get3A_95 = arith.constant 0 : index
    %get3A_96 = arith.constant 0 : index
    %get3A_97 = vector.load %arg7[%get3A_94, %get3A_95, %get3A_96] : memref<1x64x64xf32, #tpu.memory_space<vmem>>, vector<1x64x64xf32>
    %get3A_98 = vector.shape_cast %get3A_97 : vector<1x64x64xf32> to vector<64x64xf32>
    %broadcast_in_dim3A_99 = arith.constant 0.000000e+00 : f32
    %broadcast_in_dim3A_100 = vector.broadcast %broadcast_in_dim3A_99 : f32 to vector<64x64xf32>
    %concatenate3A_101 = tpu.concatenate %get3A_98, %broadcast_in_dim3A_100 in 1 : vector<64x64xf32>, vector<64x64xf32> -> vector<64x128xf32>
    %broadcast_in_dim3A_102 = arith.constant 0.000000e+00 : f32
    %broadcast_in_dim3A_103 = vector.broadcast %broadcast_in_dim3A_102 : f32 to vector<64x64xf32>
    %get3A_104 = arith.constant 0 : index
    %get3A_105 = arith.constant 0 : index
    %get3A_106 = arith.constant 0 : index
    %get3A_107 = vector.load %arg13[%get3A_104, %get3A_105, %get3A_106] : memref<1x64x64xf32, #tpu.memory_space<vmem>>, vector<1x64x64xf32>
    %get3A_108 = vector.shape_cast %get3A_107 : vector<1x64x64xf32> to vector<64x64xf32>
    %concatenate3A_109 = tpu.concatenate %broadcast_in_dim3A_103, %get3A_108 in 1 : vector<64x64xf32>, vector<64x64xf32> -> vector<64x128xf32>
    %concatenate3A_110 = tpu.concatenate %concatenate3A_101, %concatenate3A_109 in 0 : vector<64x128xf32>, vector<64x128xf32> -> vector<128x128xf32>
    %dot_general3A_111 = arith.constant dense<0.000000e+00> : vector<4096x128xf32>
    %dot_general3A_112 = tpu.matmul %reshape3A_93, %concatenate3A_110, %dot_general3A_111 {dimension_numbers = #tpu.dot_dimension_numbers<[1], [1], [0], [0], [0, 0, 1, 0], [], []>, transpose_lhs_hint = false} : vector<4096x128xf32>, vector<128x128xf32>, vector<4096x128xf32> -> vector<4096x128xf32>
    %get3A_113 = arith.constant 0 : index
    %get3A_114 = arith.constant 0 : index
    %get3A_115 = arith.constant 0 : index
    %get3A_116 = vector.load %arg8[%get3A_113, %get3A_114, %get3A_115] : memref<1x1x64xf32, #tpu.memory_space<vmem>>, vector<1x1x64xf32>
    %get3A_117 = vector.shape_cast %get3A_116 : vector<1x1x64xf32> to vector<1x64xf32>
    %get3A_118 = arith.constant 0 : index
    %get3A_119 = arith.constant 0 : index
    %get3A_120 = arith.constant 0 : index
    %get3A_121 = vector.load %arg14[%get3A_118, %get3A_119, %get3A_120] : memref<1x1x64xf32, #tpu.memory_space<vmem>>, vector<1x1x64xf32>
    %get3A_122 = vector.shape_cast %get3A_121 : vector<1x1x64xf32> to vector<1x64xf32>
    %concatenate3A_123 = tpu.concatenate %get3A_117, %get3A_122 in 1 : vector<1x64xf32>, vector<1x64xf32> -> vector<1x128xf32>
    %add3A_124 = vector.broadcast %concatenate3A_123 : vector<1x128xf32> to vector<4096x128xf32>
    %add3A_125 = arith.addf %dot_general3A_112, %add3A_124 : vector<4096x128xf32>
    %slice3A_126 = vector.extract_strided_slice %add3A_125 {offsets = [0, 0], sizes = [4096, 64], strides = [1, 1]} : vector<4096x128xf32> to vector<4096x64xf32>
    %ge3A_127 = arith.constant 0.000000e+00 : f32
    %ge3A_128 = vector.broadcast %ge3A_127 : f32 to vector<4096x64xf32>
    %ge3A_129 = arith.cmpf oge, %slice3A_126, %ge3A_128 : vector<4096x64xf32>
    %mul3A_130 = arith.constant 1.000000e-01 : f32
    %mul3A_131 = vector.broadcast %mul3A_130 : f32 to vector<4096x64xf32>
    %mul3A_132 = arith.mulf %mul3A_131, %slice3A_126 : vector<4096x64xf32>
    %select_n3A_133 = arith.select %ge3A_129, %slice3A_126, %mul3A_132 : vector<4096x64xi1>, vector<4096x64xf32>
    %slice3A_134 = vector.extract_strided_slice %add3A_125 {offsets = [0, 64], sizes = [4096, 64], strides = [1, 1]} : vector<4096x128xf32> to vector<4096x64xf32>
    %ge3A_135 = arith.constant 0.000000e+00 : f32
    %ge3A_136 = vector.broadcast %ge3A_135 : f32 to vector<4096x64xf32>
    %ge3A_137 = arith.cmpf oge, %slice3A_134, %ge3A_136 : vector<4096x64xf32>
    %mul3A_138 = arith.constant 1.000000e-01 : f32
    %mul3A_139 = vector.broadcast %mul3A_138 : f32 to vector<4096x64xf32>
    %mul3A_140 = arith.mulf %mul3A_139, %slice3A_134 : vector<4096x64xf32>
    %select_n3A_141 = arith.select %ge3A_137, %slice3A_134, %mul3A_140 : vector<4096x64xi1>, vector<4096x64xf32>
    %get3A_142 = arith.constant 0 : index
    %get3A_143 = arith.constant 0 : index
    %get3A_144 = arith.constant 0 : index
    %get3A_145 = vector.load %arg9[%get3A_142, %get3A_143, %get3A_144] : memref<1x64x64xf32, #tpu.memory_space<vmem>>, vector<1x64x64xf32>
    %get3A_146 = vector.shape_cast %get3A_145 : vector<1x64x64xf32> to vector<64x64xf32>
    %dot_general3A_147 = arith.constant dense<0.000000e+00> : vector<4096x64xf32>
    %dot_general3A_148 = tpu.matmul %select_n3A_133, %get3A_146, %dot_general3A_147 {dimension_numbers = #tpu.dot_dimension_numbers<[1], [1], [0], [0], [0, 0, 1, 0], [], []>, transpose_lhs_hint = false} : vector<4096x64xf32>, vector<64x64xf32>, vector<4096x64xf32> -> vector<4096x64xf32>
    %get3A_149 = arith.constant 0 : index
    %get3A_150 = arith.constant 0 : index
    %get3A_151 = arith.constant 0 : index
    %get3A_152 = vector.load %arg10[%get3A_149, %get3A_150, %get3A_151] : memref<1x1x64xf32, #tpu.memory_space<vmem>>, vector<1x1x64xf32>
    %get3A_153 = vector.shape_cast %get3A_152 : vector<1x1x64xf32> to vector<1x64xf32>
    %add3A_154 = vector.broadcast %get3A_153 : vector<1x64xf32> to vector<4096x64xf32>
    %add3A_155 = arith.addf %dot_general3A_148, %add3A_154 : vector<4096x64xf32>
    %logistic3A = arith.negf %add3A_155 : vector<4096x64xf32>
    %logistic3A_156 = math.exp %logistic3A : vector<4096x64xf32>
    %logistic3A_157 = arith.constant 1.000000e+00 : f32
    %logistic3A_158 = vector.broadcast %logistic3A_157 : f32 to vector<4096x64xf32>
    %logistic3A_159 = arith.addf %logistic3A_158, %logistic3A_156 : vector<4096x64xf32>
    %logistic3A_160 = arith.divf %logistic3A_158, %logistic3A_159 : vector<4096x64xf32>
    %reshape3A_161 = vector.shape_cast %select_n3A_141 : vector<4096x64xf32> to vector<256x16x64xf32>
    %reduce_max3A = arith.constant dense<0xFF800000> : vector<256x64xf32>
    %reduce_max3A_162 = vector.multi_reduction <maximumf>, %reshape3A_161, %reduce_max3A [1] : vector<256x16x64xf32> to vector<256x64xf32>
    %get3A_163 = arith.constant 0 : index
    %get3A_164 = arith.constant 0 : index
    %get3A_165 = arith.constant 0 : index
    %get3A_166 = vector.load %arg15[%get3A_163, %get3A_164, %get3A_165] : memref<1x64x64xf32, #tpu.memory_space<vmem>>, vector<1x64x64xf32>
    %get3A_167 = vector.shape_cast %get3A_166 : vector<1x64x64xf32> to vector<64x64xf32>
    %dot_general3A_168 = arith.constant dense<0.000000e+00> : vector<256x64xf32>
    %dot_general3A_169 = tpu.matmul %reduce_max3A_162, %get3A_167, %dot_general3A_168 {dimension_numbers = #tpu.dot_dimension_numbers<[1], [1], [0], [0], [0, 0, 1, 0], [], []>, transpose_lhs_hint = false} : vector<256x64xf32>, vector<64x64xf32>, vector<256x64xf32> -> vector<256x64xf32>
    %get3A_170 = arith.constant 0 : index
    %get3A_171 = arith.constant 0 : index
    %get3A_172 = arith.constant 0 : index
    %get3A_173 = vector.load %arg16[%get3A_170, %get3A_171, %get3A_172] : memref<1x1x64xf32, #tpu.memory_space<vmem>>, vector<1x1x64xf32>
    %get3A_174 = vector.shape_cast %get3A_173 : vector<1x1x64xf32> to vector<1x64xf32>
    %add3A_175 = vector.broadcast %get3A_174 : vector<1x64xf32> to vector<256x64xf32>
    %add3A_176 = arith.addf %dot_general3A_169, %add3A_175 : vector<256x64xf32>
    %logistic3A_177 = arith.negf %add3A_176 : vector<256x64xf32>
    %logistic3A_178 = math.exp %logistic3A_177 : vector<256x64xf32>
    %logistic3A_179 = arith.constant 1.000000e+00 : f32
    %logistic3A_180 = vector.broadcast %logistic3A_179 : f32 to vector<256x64xf32>
    %logistic3A_181 = arith.addf %logistic3A_180, %logistic3A_178 : vector<256x64xf32>
    %logistic3A_182 = arith.divf %logistic3A_180, %logistic3A_181 : vector<256x64xf32>
    %reshape3A_183 = vector.shape_cast %logistic3A_160 : vector<4096x64xf32> to vector<256x16x64xf32>
    %slice3A_184 = vector.extract_strided_slice %dot_general3A_68 {offsets = [0, 128], sizes = [256, 64], strides = [1, 1]} : vector<256x192xf32> to vector<256x64xf32>
    %broadcast_in_dim3A_185 = vector.shape_cast %slice3A_184 : vector<256x64xf32> to vector<256x1x64xf32>
    %mul3A_186 = vector.broadcast %broadcast_in_dim3A_185 : vector<256x1x64xf32> to vector<256x16x64xf32>
    %mul3A_187 = arith.mulf %reshape3A_183, %mul3A_186 : vector<256x16x64xf32>
    %reshape3A_188 = vector.shape_cast %mul3A_187 : vector<256x16x64xf32> to vector<4096x64xf32>
    %slice3A_189 = vector.extract_strided_slice %dot_general3A_50 {offsets = [0, 128], sizes = [4096, 64], strides = [1, 1]} : vector<4096x192xf32> to vector<4096x64xf32>
    %get3A_190 = arith.constant 0 : index
    %get3A_191 = arith.constant 0 : index
    %get3A_192 = arith.constant 0 : index
    %get3A_193 = vector.load %arg18[%get3A_190, %get3A_191, %get3A_192] : memref<1x1x64xf32, #tpu.memory_space<vmem>>, vector<1x1x64xf32>
    %get3A_194 = vector.shape_cast %get3A_193 : vector<1x1x64xf32> to vector<1x64xf32>
    %add3A_195 = vector.broadcast %get3A_194 : vector<1x64xf32> to vector<4096x64xf32>
    %add3A_196 = arith.addf %slice3A_189, %add3A_195 : vector<4096x64xf32>
    %add3A_197 = arith.addf %add3A_196, %reshape3A_188 : vector<4096x64xf32>
    %slice3A_198 = vector.extract_strided_slice %dot_general3A_32 {offsets = [0, 128], sizes = [4096, 64], strides = [1, 1]} : vector<4096x192xf32> to vector<4096x64xf32>
    %add3A_199 = arith.addf %add3A_197, %slice3A_198 : vector<4096x64xf32>
    %ge3A_200 = arith.constant 0.000000e+00 : f32
    %ge3A_201 = vector.broadcast %ge3A_200 : f32 to vector<4096x64xf32>
    %ge3A_202 = arith.cmpf oge, %add3A_199, %ge3A_201 : vector<4096x64xf32>
    %mul3A_203 = arith.constant 1.000000e-01 : f32
    %mul3A_204 = vector.broadcast %mul3A_203 : f32 to vector<4096x64xf32>
    %mul3A_205 = arith.mulf %mul3A_204, %add3A_199 : vector<4096x64xf32>
    %select_n3A_206 = arith.select %ge3A_202, %add3A_199, %mul3A_205 : vector<4096x64xi1>, vector<4096x64xf32>
    %get3A_207 = arith.constant 0 : index
    %get3A_208 = arith.constant 0 : index
    %get3A_209 = arith.constant 0 : index
    %get3A_210 = vector.load %arg19[%get3A_207, %get3A_208, %get3A_209] : memref<1x64x64xf32, #tpu.memory_space<vmem>>, vector<1x64x64xf32>
    %get3A_211 = vector.shape_cast %get3A_210 : vector<1x64x64xf32> to vector<64x64xf32>
    %dot_general3A_212 = arith.constant dense<0.000000e+00> : vector<4096x64xf32>
    %dot_general3A_213 = tpu.matmul %select_n3A_206, %get3A_211, %dot_general3A_212 {dimension_numbers = #tpu.dot_dimension_numbers<[1], [1], [0], [0], [0, 0, 1, 0], [], []>, transpose_lhs_hint = false} : vector<4096x64xf32>, vector<64x64xf32>, vector<4096x64xf32> -> vector<4096x64xf32>
    %get3A_214 = arith.constant 0 : index
    %get3A_215 = arith.constant 0 : index
    %get3A_216 = arith.constant 0 : index
    %get3A_217 = vector.load %arg20[%get3A_214, %get3A_215, %get3A_216] : memref<1x1x64xf32, #tpu.memory_space<vmem>>, vector<1x1x64xf32>
    %get3A_218 = vector.shape_cast %get3A_217 : vector<1x1x64xf32> to vector<1x64xf32>
    %add3A_219 = vector.broadcast %get3A_218 : vector<1x64xf32> to vector<4096x64xf32>
    %add3A_220 = arith.addf %dot_general3A_213, %add3A_219 : vector<4096x64xf32>
    %ge3A_221 = arith.constant 0.000000e+00 : f32
    %ge3A_222 = vector.broadcast %ge3A_221 : f32 to vector<4096x64xf32>
    %ge3A_223 = arith.cmpf oge, %add3A_220, %ge3A_222 : vector<4096x64xf32>
    %mul3A_224 = arith.constant 1.000000e-01 : f32
    %mul3A_225 = vector.broadcast %mul3A_224 : f32 to vector<4096x64xf32>
    %mul3A_226 = arith.mulf %mul3A_225, %add3A_220 : vector<4096x64xf32>
    %select_n3A_227 = arith.select %ge3A_223, %add3A_220, %mul3A_226 : vector<4096x64xi1>, vector<4096x64xf32>
    %reshape3A_228 = vector.shape_cast %select_n3A_227 : vector<4096x64xf32> to vector<256x16x64xf32>
    %reduce_max3A_229 = arith.constant dense<0xFF800000> : vector<256x64xf32>
    %reduce_max3A_230 = vector.multi_reduction <maximumf>, %reshape3A_228, %reduce_max3A_229 [1] : vector<256x16x64xf32> to vector<256x64xf32>
    %get3A_231 = arith.constant 0 : index
    %get3A_232 = arith.constant 0 : index
    %get3A_233 = arith.constant 0 : index
    %get3A_234 = vector.load %arg21[%get3A_231, %get3A_232, %get3A_233] : memref<1x64x64xf32, #tpu.memory_space<vmem>>, vector<1x64x64xf32>
    %get3A_235 = vector.shape_cast %get3A_234 : vector<1x64x64xf32> to vector<64x64xf32>
    %dot_general3A_236 = arith.constant dense<0.000000e+00> : vector<256x64xf32>
    %dot_general3A_237 = tpu.matmul %reduce_max3A_230, %get3A_235, %dot_general3A_236 {dimension_numbers = #tpu.dot_dimension_numbers<[1], [1], [0], [0], [0, 0, 1, 0], [], []>, transpose_lhs_hint = false} : vector<256x64xf32>, vector<64x64xf32>, vector<256x64xf32> -> vector<256x64xf32>
    %get3A_238 = arith.constant 0 : index
    %get3A_239 = arith.constant 0 : index
    %get3A_240 = arith.constant 0 : index
    %get3A_241 = vector.load %arg22[%get3A_238, %get3A_239, %get3A_240] : memref<1x1x64xf32, #tpu.memory_space<vmem>>, vector<1x1x64xf32>
    %get3A_242 = vector.shape_cast %get3A_241 : vector<1x1x64xf32> to vector<1x64xf32>
    %add3A_243 = vector.broadcast %get3A_242 : vector<1x64xf32> to vector<256x64xf32>
    %add3A_244 = arith.addf %dot_general3A_237, %add3A_243 : vector<256x64xf32>
    %ge3A_245 = arith.constant 0.000000e+00 : f32
    %ge3A_246 = vector.broadcast %ge3A_245 : f32 to vector<256x64xf32>
    %ge3A_247 = arith.cmpf oge, %add3A_244, %ge3A_246 : vector<256x64xf32>
    %mul3A_248 = arith.constant 1.000000e-01 : f32
    %mul3A_249 = vector.broadcast %mul3A_248 : f32 to vector<256x64xf32>
    %mul3A_250 = arith.mulf %mul3A_249, %add3A_244 : vector<256x64xf32>
    %select_n3A_251 = arith.select %ge3A_247, %add3A_244, %mul3A_250 : vector<256x64xi1>, vector<256x64xf32>
    %sub3A_252 = arith.constant 1.000000e+00 : f32
    %sub3A_253 = vector.broadcast %sub3A_252 : f32 to vector<256x64xf32>
    %sub3A_254 = arith.subf %sub3A_253, %logistic3A_182 : vector<256x64xf32>
    %mul3A_255 = arith.mulf %sub3A_254, %get3A_14 : vector<256x64xf32>
    %mul3A_256 = arith.mulf %logistic3A_182, %select_n3A_251 : vector<256x64xf32>
    %add3A_257 = arith.addf %mul3A_255, %mul3A_256 : vector<256x64xf32>
    %swap3A = arith.constant 0 : index
    %swap3A_258 = arith.constant 0 : index
    %swap3A_259 = arith.constant 0 : index
    %swap3A_260 = vector.load %arg29[%swap3A, %swap3A_258, %swap3A_259] : memref<1x256x64xf32, #tpu.memory_space<vmem>>, vector<1x256x64xf32>
    %swap3A_261 = vector.shape_cast %swap3A_260 : vector<1x256x64xf32> to vector<256x64xf32>
    %swap3A_262 = vector.shape_cast %add3A_257 : vector<256x64xf32> to vector<1x256x64xf32>
    tpu.vector_store %arg29[%swap3A, %swap3A_258, %swap3A_259], %swap3A_262 {strides = array<i32>} : memref<1x256x64xf32, #tpu.memory_space<vmem>>, vector<1x256x64xf32>,
    return
  }
  func.func @transform_0(%arg0: i32, %arg1: i32) -> (i32, i32, i32) {
    %c0_i32 = arith.constant 0 : i32
    %c0_i32_0 = arith.constant 0 : i32
    return %arg0, %arg1, %c0_i32 : i32, i32, i32
  }
  func.func @transform_1(%arg0: i32, %arg1: i32) -> (i32, i32, i32) {
    %c0_i32 = arith.constant 0 : i32
    %c0_i32_0 = arith.constant 0 : i32
    return %arg0, %arg1, %c0_i32 : i32, i32, i32
  }
  func.func @transform_2(%arg0: i32, %arg1: i32) -> (i32, i32, i32) {
    %c0_i32 = arith.constant 0 : i32
    %c0_i32_0 = arith.constant 0 : i32
    return %arg0, %arg1, %c0_i32 : i32, i32, i32
  }
  func.func @transform_3(%arg0: i32, %arg1: i32) -> (i32, i32, i32) {
    %c0_i32 = arith.constant 0 : i32
    %c0_i32_0 = arith.constant 0 : i32
    %c0_i32_1 = arith.constant 0 : i32
    %c0_i32_2 = arith.constant 0 : i32
    return %c0_i32, %c0_i32_0, %c0_i32_1 : i32, i32, i32
  }
  func.func @transform_4(%arg0: i32, %arg1: i32) -> (i32, i32, i32) {
    %c0_i32 = arith.constant 0 : i32
    %c0_i32_0 = arith.constant 0 : i32
    %c0_i32_1 = arith.constant 0 : i32
    %c0_i32_2 = arith.constant 0 : i32
    return %c0_i32, %c0_i32_0, %c0_i32_1 : i32, i32, i32
  }
  func.func @transform_5(%arg0: i32, %arg1: i32) -> (i32, i32, i32) {
    %c0_i32 = arith.constant 0 : i32
    %c0_i32_0 = arith.constant 0 : i32
    %c0_i32_1 = arith.constant 0 : i32
    %c0_i32_2 = arith.constant 0 : i32
    return %c0_i32, %c0_i32_0, %c0_i32_1 : i32, i32, i32
  }
  func.func @transform_6(%arg0: i32, %arg1: i32) -> (i32, i32, i32) {
    %c0_i32 = arith.constant 0 : i32
    %c0_i32_0 = arith.constant 0 : i32
    %c0_i32_1 = arith.constant 0 : i32
    %c0_i32_2 = arith.constant 0 : i32
    return %c0_i32, %c0_i32_0, %c0_i32_1 : i32, i32, i32
  }
  func.func @transform_7(%arg0: i32, %arg1: i32) -> (i32, i32, i32) {
    %c0_i32 = arith.constant 0 : i32
    %c0_i32_0 = arith.constant 0 : i32
    %c0_i32_1 = arith.constant 0 : i32
    %c0_i32_2 = arith.constant 0 : i32
    return %c0_i32, %c0_i32_0, %c0_i32_1 : i32, i32, i32
  }
  func.func @transform_8(%arg0: i32, %arg1: i32) -> (i32, i32, i32) {
    %c0_i32 = arith.constant 0 : i32
    %c0_i32_0 = arith.constant 0 : i32
    %c0_i32_1 = arith.constant 0 : i32
    %c0_i32_2 = arith.constant 0 : i32
    return %c0_i32, %c0_i32_0, %c0_i32_1 : i32, i32, i32
  }
  func.func @transform_9(%arg0: i32, %arg1: i32) -> (i32, i32, i32) {
    %c0_i32 = arith.constant 0 : i32
    %c0_i32_0 = arith.constant 0 : i32
    %c0_i32_1 = arith.constant 0 : i32
    %c0_i32_2 = arith.constant 0 : i32
    return %c0_i32, %c0_i32_0, %c0_i32_1 : i32, i32, i32
  }
  func.func @transform_10(%arg0: i32, %arg1: i32) -> (i32, i32, i32) {
    %c0_i32 = arith.constant 0 : i32
    %c0_i32_0 = arith.constant 0 : i32
    %c0_i32_1 = arith.constant 0 : i32
    %c0_i32_2 = arith.constant 0 : i32
    return %c0_i32, %c0_i32_0, %c0_i32_1 : i32, i32, i32
  }
  func.func @transform_11(%arg0: i32, %arg1: i32) -> (i32, i32, i32) {
    %c0_i32 = arith.constant 0 : i32
    %c0_i32_0 = arith.constant 0 : i32
    %c0_i32_1 = arith.constant 0 : i32
    %c0_i32_2 = arith.constant 0 : i32
    return %c0_i32, %c0_i32_0, %c0_i32_1 : i32, i32, i32
  }
  func.func @transform_12(%arg0: i32, %arg1: i32) -> (i32, i32, i32) {
    %c0_i32 = arith.constant 0 : i32
    %c0_i32_0 = arith.constant 0 : i32
    %c0_i32_1 = arith.constant 0 : i32
    %c0_i32_2 = arith.constant 0 : i32
    return %c0_i32, %c0_i32_0, %c0_i32_1 : i32, i32, i32
  }
  func.func @transform_13(%arg0: i32, %arg1: i32) -> (i32, i32, i32) {
    %c0_i32 = arith.constant 0 : i32
    %c0_i32_0 = arith.constant 0 : i32
    %c0_i32_1 = arith.constant 0 : i32
    %c0_i32_2 = arith.constant 0 : i32
    return %c0_i32, %c0_i32_0, %c0_i32_1 : i32, i32, i32
  }
  func.func @transform_14(%arg0: i32, %arg1: i32) -> (i32, i32, i32) {
    %c0_i32 = arith.constant 0 : i32
    %c0_i32_0 = arith.constant 0 : i32
    %c0_i32_1 = arith.constant 0 : i32
    %c0_i32_2 = arith.constant 0 : i32
    return %c0_i32, %c0_i32_0, %c0_i32_1 : i32, i32, i32
  }
  func.func @transform_15(%arg0: i32, %arg1: i32) -> (i32, i32, i32) {
    %c0_i32 = arith.constant 0 : i32
    %c0_i32_0 = arith.constant 0 : i32
    %c0_i32_1 = arith.constant 0 : i32
    %c0_i32_2 = arith.constant 0 : i32
    return %c0_i32, %c0_i32_0, %c0_i32_1 : i32, i32, i32
  }
  func.func @transform_16(%arg0: i32, %arg1: i32) -> (i32, i32, i32) {
    %c0_i32 = arith.constant 0 : i32
    %c0_i32_0 = arith.constant 0 : i32
    %c0_i32_1 = arith.constant 0 : i32
    %c0_i32_2 = arith.constant 0 : i32
    return %c0_i32, %c0_i32_0, %c0_i32_1 : i32, i32, i32
  }
  func.func @transform_17(%arg0: i32, %arg1: i32) -> (i32, i32, i32) {
    %c0_i32 = arith.constant 0 : i32
    %c0_i32_0 = arith.constant 0 : i32
    %c0_i32_1 = arith.constant 0 : i32
    %c0_i32_2 = arith.constant 0 : i32
    return %c0_i32, %c0_i32_0, %c0_i32_1 : i32, i32, i32
  }
  func.func @transform_18(%arg0: i32, %arg1: i32) -> (i32, i32, i32) {
    %c0_i32 = arith.constant 0 : i32
    %c0_i32_0 = arith.constant 0 : i32
    %c0_i32_1 = arith.constant 0 : i32
    %c0_i32_2 = arith.constant 0 : i32
    return %c0_i32, %c0_i32_0, %c0_i32_1 : i32, i32, i32
  }
  func.func @transform_19(%arg0: i32, %arg1: i32) -> (i32, i32, i32) {
    %c0_i32 = arith.constant 0 : i32
    %c0_i32_0 = arith.constant 0 : i32
    %c0_i32_1 = arith.constant 0 : i32
    %c0_i32_2 = arith.constant 0 : i32
    return %c0_i32, %c0_i32_0, %c0_i32_1 : i32, i32, i32
  }
  func.func @transform_20(%arg0: i32, %arg1: i32) -> (i32, i32, i32) {
    %c0_i32 = arith.constant 0 : i32
    %c0_i32_0 = arith.constant 0 : i32
    %c0_i32_1 = arith.constant 0 : i32
    %c0_i32_2 = arith.constant 0 : i32
    return %c0_i32, %c0_i32_0, %c0_i32_1 : i32, i32, i32
  }
  func.func @transform_21(%arg0: i32, %arg1: i32) -> (i32, i32, i32) {
    %c0_i32 = arith.constant 0 : i32
    %c0_i32_0 = arith.constant 0 : i32
    %c0_i32_1 = arith.constant 0 : i32
    %c0_i32_2 = arith.constant 0 : i32
    return %c0_i32, %c0_i32_0, %c0_i32_1 : i32, i32, i32
  }
  func.func @transform_22(%arg0: i32, %arg1: i32) -> (i32, i32, i32) {
    %c0_i32 = arith.constant 0 : i32
    %c0_i32_0 = arith.constant 0 : i32
    %c0_i32_1 = arith.constant 0 : i32
    %c0_i32_2 = arith.constant 0 : i32
    return %c0_i32, %c0_i32_0, %c0_i32_1 : i32, i32, i32
  }
  func.func @transform_23(%arg0: i32, %arg1: i32) -> (i32, i32, i32) {
    %c0_i32 = arith.constant 0 : i32
    %c0_i32_0 = arith.constant 0 : i32
    %c0_i32_1 = arith.constant 0 : i32
    %c0_i32_2 = arith.constant 0 : i32
    return %c0_i32, %c0_i32_0, %c0_i32_1 : i32, i32, i32
  }
  func.func @transform_24(%arg0: i32, %arg1: i32) -> (i32, i32, i32) {
    %c0_i32 = arith.constant 0 : i32
    %c0_i32_0 = arith.constant 0 : i32
    %c0_i32_1 = arith.constant 0 : i32
    %c0_i32_2 = arith.constant 0 : i32
    return %c0_i32, %c0_i32_0, %c0_i32_1 : i32, i32, i32
  }
  func.func @transform_25(%arg0: i32, %arg1: i32) -> (i32, i32, i32) {
    %c0_i32 = arith.constant 0 : i32
    %c0_i32_0 = arith.constant 0 : i32
    %c0_i32_1 = arith.constant 0 : i32
    %c0_i32_2 = arith.constant 0 : i32
    return %c0_i32, %c0_i32_0, %c0_i32_1 : i32, i32, i32
  }
  func.func @transform_26(%arg0: i32, %arg1: i32) -> (i32, i32, i32) {
    %c0_i32 = arith.constant 0 : i32
    %c0_i32_0 = arith.constant 0 : i32
    %c0_i32_1 = arith.constant 0 : i32
    %c0_i32_2 = arith.constant 0 : i32
    return %c0_i32, %c0_i32_0, %c0_i32_1 : i32, i32, i32
  }
  func.func @transform_27(%arg0: i32, %arg1: i32) -> (i32, i32, i32) {
    %c0_i32 = arith.constant 0 : i32
    %c0_i32_0 = arith.constant 0 : i32
    return %arg0, %arg1, %c0_i32 : i32, i32, i32
  }
}

</mosaic_0001>

<sc_bundles>
// kernel: kernel.11.cloned.1.call-start
scs
__scs_entry_jumppad:
0x0: {  	(pc) =	sbr.rel $0x88, $3  }
0x1: {  	(tag) =	ssettag $0x0;
	lr =	simm.s32 $0x1  }
0x2: {  	[smem:$0x3F83] =	sst lr;
	_ =	strace $0xD0000000  }
0x3: {  	_ = 	snop  }
0x4: {  	_ = 	snop  }
0x5: {  	_ = 	snop  }
0x6: {  	_ = 	snop  }
0x7: {  	_ = 	snop  }
__scs_overlays_trampoline_lowered:
0x8: {  	[smem:$0x3F92] =	sst s0  }
0x9: {  	[smem:$0x3F93] =	sst s1  }
0xa: {  	[smem:$0x3F94] =	sst s2  }
0xb: {  	[smem:$0x3F95] =	sst s3  }
0xc: {  	[smem:$0x3F96] =	sst s4  }
0xd: {  	[smem:$0x3F97] =	sst s5  }
0xe: {  	[smem:$0x3F98] =	sst s6  }
0xf: {  	[smem:$0x3F99] =	sst s7  }
0x10: {  	[smem:$0x3F9A] =	sst s8  }
0x11: {  	[smem:$0x3F9B] =	sst s9;
	s0 =	simm.s32 @!p0 $0x0  }
0x12: {  	s1 =	sld [smem:$0x3F81];
	s0 =	simm.s32 @p0 $0x1  }
0x13: {  	[smem:$0x3F9C] =	sst s0;
	s0 =	simm.s32 @!p1 $0x0  }
0x14: {  	s2 =	sld [smem:$0x3F80];
	s0 =	simm.s32 @p1 $0x1  }
0x15: {  	[smem:$0x3F9D] =	sst s0;
	s0 =	simm.s32 @!p2 $0x0  }
0x16: {  	s3 =	sld [smem:$0x3FDB];
	s0 =	simm.s32 @p2 $0x1  }
0x17: {  	s4 =	simm.s32 $0x1BF5;
	[smem:$0x3F9F] =	sst s0  }
0x18: {  	s0 =	sld [smem:$0x3F82];
	_ =	swait.ge [sflag:s4], $0x0  }
0x19: {  	s7 =	sld [smem:$0x3F83]  }
0x1a: {  	s8 =	sadd.s32 $0xFFFFE003, lr  }
0x1b: {  	s9 =	sadd.s32 $0xFFFFFEF7, lr;
	s5 =	simm.s32 $0xFFFFFFFF;
	p2 =	slt.u32 s8, $0xFFFFF086  }
0x1c: {  	p1 =	slt.u32 s9, $0xF7A;
	s5 =	simm.s32 @!p2 $0x0  }
0x1d: {  	s5 =	simm.s32 @p1 $0x1;
	p0 =	seq.s32 s7, s2  }
0x1e: {  	s7 =	smul.u32 @!p0 $0xF7A, s2;
	p2 =	seq.s32 @!p0 s5, $0x0  }
0x1f: {  	s9 =	smul.u32 $0xF7A, s1;
	s8 =	simm.s32 @!p0 $0x1BF5;
	p2 =	por !p2, p0  }
0x20: {  	[sflag:s8] =	ssyncset.s32 @!p0 $0xFFFFF086;
	s6 =	sadd.s32 @!p0 s3, s7;
	s7 =	simm.s32 @!p0 $0x108  }
0x21: {  	s3 =	sadd.s32 s3, s9;
	s6 =	sadd.s32 @!p0 $0x88, s6;
	s7 =	simm.s32 @p2 $0x1082  }
0x22: {  	[simem:s7], [sflag:s8] =	dma.local @!p0 [hbm:s6], $0xF7A  }
0x23: {  	s9 =	sor.u32 $0xD0000000, s2;
	s6 =	simm.s32 $0x108;
	_ =	swait.ge @!p0 [sflag:s8], $0x0  }
0x24: {  	s3 =	sadd.s32 $0x88, s3;
	s6 =	simm.s32 @!p1 $0x1082;
	[sflag:s4] =	ssyncset.s32 $0xFFFFF086  }
0x25: {  	[simem:s6], [sflag:s4] =	dma.local [hbm:s3], $0xF7A  }
0x26: {  	[smem:$0x3F83] =	sst s1;
	(tag) =	ssettag s2;
	_ =	strace s9  }
0x27: {  	s1 =	sld [smem:$0x3F93]  }
0x28: {  	s2 =	sld [smem:$0x3F94]  }
0x29: {  	s4 =	sld [smem:$0x3F96]  }
0x2a: {  	p0 =	seq.s32 s5, $0x0;
	s5 =	sld [smem:$0x3F97]  }
0x2b: {  	s6 =	sld [smem:$0x3F98]  }
0x2c: {  	s7 =	sld [smem:$0x3F99]  }
0x2d: {  	s3 =	simm.s32 $0x108;
	s8 =	sld [smem:$0x3F9A]  }
0x2e: {  	s3 =	simm.s32 @!p0 $0x1082;
	s9 =	sld [smem:$0x3F9B]  }
0x2f: {  	lr =	sadd.s32 s0, s3;
	s0 =	sld [smem:$0x3F92]  }
0x30: {  	s3 =	sld [smem:$0x3F95]  }
0x31: {  	[smem:$0x3F9E] =	sst s10  }
0x32: {  	s10 =	sld [smem:$0x3F9C];
	_ =	sdelay $0x3  }
0x33: {  	p0 =	seq.s32 s10, $0x1;
	s10 =	sld [smem:$0x3F9E];
	_ =	sdelay $0x3  }
0x34: {  	[smem:$0x3F9E] =	sst s10  }
0x35: {  	s10 =	sld [smem:$0x3F9D];
	_ =	sdelay $0x3  }
0x36: {  	p1 =	seq.s32 s10, $0x1;
	s10 =	sld [smem:$0x3F9E];
	_ =	sdelay $0x3  }
0x37: {  	[smem:$0x3F9E] =	sst s10  }
0x38: {  	s10 =	sld [smem:$0x3F9F]  }
0x39: {  	_ = 	snop;
	(pc) =	sbr.ind lr, $3  }
0x3a: {  	_ = 	snop  }
0x3b: {  	_ = 	snop  }
0x3c: {  	p2 =	seq.s32 s10, $0x1;
	s10 =	sld [smem:$0x3F9E]  }
0x3d: {  	_ =	shalt  }
0x3e: {  	_ =	shalt  }
0x3f: {  	_ =	shalt  }
0x40: {  	_ =	shalt  }
0x41: {  	_ =	shalt  }
0x42: {  	_ =	shalt  }
0x43: {  	_ =	shalt  }
0x44: {  	_ =	shalt  }
0x45: {  	_ =	shalt  }
0x46: {  	_ =	shalt  }
0x47: {  	_ =	shalt  }
0x48: {  	_ =	shalt  }
0x49: {  	_ =	shalt  }
0x4a: {  	_ =	shalt  }
0x4b: {  	_ =	shalt  }
0x4c: {  	_ =	shalt  }
0x4d: {  	_ =	shalt  }
0x4e: {  	_ =	shalt  }
0x4f: {  	_ =	shalt  }
0x50: {  	_ =	shalt  }
0x51: {  	_ =	shalt  }
0x52: {  	_ =	shalt  }
0x53: {  	_ =	shalt  }
0x54: {  	_ =	shalt  }
0x55: {  	_ =	shalt  }
0x56: {  	_ =	shalt  }
0x57: {  	_ =	shalt  }
0x58: {  	_ =	shalt  }
0x59: {  	_ =	shalt  }
0x5a: {  	_ =	shalt  }
0x5b: {  	_ =	shalt  }
0x5c: {  	_ =	shalt  }
0x5d: {  	_ =	shalt  }
0x5e: {  	_ =	shalt  }
0x5f: {  	_ =	shalt  }
0x60: {  	_ =	shalt  }
0x61: {  	_ =	shalt  }
0x62: {  	_ =	shalt  }
0x63: {  	_ =	shalt  }
0x64: {  	_ =	shalt  }
0x65: {  	_ =	shalt  }
0x66: {  	_ =	shalt  }
0x67: {  	_ =	shalt  }
0x68: {  	_ =	shalt  }
0x69: {  	_ =	shalt  }
0x6a: {  	_ =	shalt  }
0x6b: {  	_ =	shalt  }
0x6c: {  	_ =	shalt  }
0x6d: {  	_ =	shalt  }
0x6e: {  	_ =	shalt  }
0x6f: {  	_ =	shalt  }
0x70: {  	_ =	shalt  }
0x71: {  	_ =	shalt  }
0x72: {  	_ =	shalt  }
0x73: {  	_ =	shalt  }
0x74: {  	_ =	shalt  }
0x75: {  	_ =	shalt  }
0x76: {  	_ =	shalt  }
0x77: {  	_ =	shalt  }
0x78: {  	_ =	shalt  }
0x79: {  	_ =	shalt  }
0x7a: {  	_ =	shalt  }
0x7b: {  	_ =	shalt  }
0x7c: {  	_ =	shalt  }
0x7d: {  	_ =	shalt  }
0x7e: {  	_ =	shalt  }
0x7f: {  	_ =	shalt  }
0x80: {  	_ =	shalt  }
0x81: {  	_ =	shalt  }
0x82: {  	_ =	shalt  }
0x83: {  	_ =	shalt  }
0x84: {  	_ =	shalt  }
0x85: {  	_ =	shalt  }
0x86: {  	_ =	shalt  }
0x87: {  	_ =	shalt  }
.Lfunc_end0:
.L_simem_size_0:
called_computation.1_lowered:
.L_overlay_start_0:
0x88: {  	s2 =	sld [smem:$0x3FD9]  }
0x89: {  	s3 =	sld [smem:$0x3FFE];
	_ =	sdelay $0x1  }
0x8a: {  	s1 =	srdreg.scid  }
0x8b: {  	s0 =	sand.u32 $0x1, s1  }
0x8c: {  	s17 =	sshll.u32 s0, $0xA;
	s2 =	sadd.s32 s3, s2  }
0x8d: {  	s2 =	sadd.s32 s2, s17  }
0x8e: {  	[smem:$0x3FAA] =	sst s2  }
0x8f: {  	_ = 	snop  }
0x90: {  	s2 =	sld [smem:$0x3FD0];
	(tm) =	ssettm $0x1  }
0x91: {  	s18 =	sld [smem:$0x3FFB];
	_ =	sdelay $0x3  }
0x92: {  	_ =	strace s18  }
0x93: {  	s3 =	sld [smem:$0x3FFC];
	_ =	sdelay $0x3  }
0x94: {  	_ =	strace s3  }
0x95: {  	s3 =	sld [smem:$0x3FFD];
	_ =	sdelay $0x3  }
0x96: {  	_ =	strace s3  }
0x97: {  	_ =	strace $0x8FFFFFFF  }
0x98: {  	s19 =	sld [smem:$0x3FDB];
	_ =	sdelay $0x1  }
0x99: {  	s4 =	simm.s32 $_scs_section_size  }
0x9a: {  	s5 =	simm.s32 $_size__tile_overlayer_lowered;
	s6 =	simm.s32 $_tile_overlayer_lowered  }
0x9b: {  	s22 =	simm.s32 $0x1BFF;
	s21 =	sshll.u32 s6, $0x1;
	s3 =	sadd.s32 s4, s19  }
0x9c: {  	s7 =	simm.s32 $0x0;
	s20 =	sshll.u32 s5, $0x1;
	s5 =	sadd.s32 s21, s3  }
0x9d: {  	[timem:s7], [sflag:s22] =	dma.local [hbm:s5], s20  }
0x9e: {  	_ =	swait.ge [sflag:s22], s20  }
0x9f: {  	s4 =	ssub.s32 $0x0, s20;
	[sflag:s22] =	ssyncset.done $0x0  }
0xa0: {  	[sflag:s22] =	ssyncadd.s32 s4;
	_ =	sdelay $0x1  }
0xa1: {  	s23 =	simm.s32 $0x1B8B  }
0xa2: {  	_ =	swait.ge [sflag:s23], $0x1  }
0xa3: {  	[sflag:s23] =	ssyncset.done $0x0  }
0xa4: {  	s25 =	simm.s32 $0x1B8E;
	s24 =	sld [smem:$0x3FFE];
	[sflag:s23] =	ssyncadd.s32 $0xFFFFFFFF  }
0xa5: {  	s26 =	simm.s32 $execute0_lowered;
	[smem:$0x3FD2] =	sst s25  }
0xa6: {  	s5 =	sshll.u32 s26, $0x1;
	_ =	strace $0x80000046;
	[dreg:$0x1] =	wrdreg $0xFFFFFFFF  }
0xa7: {  	s28 =	simm.s32 $_size_execute0_lowered;
	s3 =	sadd.s32 s3, s5;
	[dreg:$0x0] =	wrdreg $0x0  }
0xa8: {  	s5 =	sshll.u32 s28, $0x1;
	[dreg:$0x2] =	wrdreg s3  }
0xa9: {  	[dreg:$0x3] =	wrdreg s5  }
0xaa: {  	[dreg:$0x4] =	wrdreg $0xC0  }
0xab: {  	_ =	task [dreg:s7], $0x5FFFF  }
0xac: {  	[dreg:$0x1] =	wrdreg $0xFFFFFFFF  }
0xad: {  	[dreg:$0x0] =	wrdreg $0x60  }
0xae: {  	[dreg:$0x2] =	wrdreg s24  }
0xaf: {  	[dreg:$0x3] =	wrdreg s2  }
0xb0: {  	[dreg:$0x4] =	wrdreg $0xA  }
0xb1: {  	_ =	task.clear_ibuf [dreg:s7], $0x5FFFF;
	_ =	strace $0x90000046  }
0xb2: {  	s29 =	simm.s32 $0xA;
	_ =	strace $0x80000048  }
0xb3: {  	_ =	swait.ge [sflag:s29], $0x1  }
0xb4: {  	[sflag:s29] =	ssyncadd.s32 $0xFFFFFFFF  }
0xb5: {  	_ =	strace $0x90000048  }
0xb6: {  	_ =	sfence  }
0xb7: {  	s30 =	sld [smem:$0x0];
	_ =	sdelay $0x2  }
0xb8: {  	s31 =	sshll.u32 s1, $0xD;
	s1 =	sshrl.u32 s1, $0x2  }
0xb9: {  	s3 =	sand.u32 $0x4000, s31;
	s1 =	sadd.s32 s1, s30  }
0xba: {  	s0 =	sor.u32 s3, s0;
	s1 =	sshll.u32 s1, $0x11  }
0xbb: {  	s0 =	sor.u32 s1, s0  }
0xbc: {  	s0 =	sadd.s32 $0x8F2B, s0  }
0xbd: {  	[sflag:s0] =	ssyncadd.remote.s32 $0x1  }
0xbe: {  	_ =	sfence.sel $0xFFFF  }
0xbf: {  	[dreg:$0x0] =	wrdreg $0xFFFFFFFF;
	(pc) =	sbr.abs _section_cstart, $3  }
0xc0: {  	[dreg:$0x1] =	wrdreg $0xFFFFFFFF  }
0xc1: {  	_ =	task.clear_ibuf [dreg:s7], $0x2FFFF;
	_ =	strace $0x9FFFFFFF  }
0xc2: {  	(tm) =	ssettm $0x7FFFFFFF  }
0xc3: {  	_ =	shalt  }
tec
execute0_lowered:
.L_overlay_start_1:
0x0: {  	(tag) =	ssettag $0x1  }
0x1: {  	s1 =	srdreg.scid  }
0x2: {  	s8 =	rddreg [dreg:$0x0];
	s0 =	stileid.u32;
	s22 =	sand.u32 $0x1, s1  }
0x3: {  	s21 =	rddreg [dreg:$0x1];
	s3 =	sshll.u32 s0, $0xB;
	s4 =	sshll.u32 s22, $0xA  }
0x4: {  	s2 =	simm.s32 $0x0;
	s1 =	rddreg [dreg:$0x2];
	s24 =	sor.u32 s4, s3  }
0x5: {  	[smem:$0x7FF] =	sst s2;
	s3 =	sshrl.u32 s24, $0x3  }
0x6: {  	_ =	strace $0x80000047;
	s4 =	sadd.s32 s21, s3;
	s3 =	simm.s32 $0x2  }
0x7: {  	[tilespmem:s2], [sflag:$0x2] =	stream.linear.gather [hbm4b:s4+s2], $0x80, $0x38;
	[tilespmem:$0x4080] =	vst v63  }
0x8: {  	_ =	swait.ge [sflag:s3], $0x80  }
0x9: {  	s6 =	simm.s32 $0x80;
	[sflag:s3] =	ssyncset.done $0x0  }
0xa: {  	s7 =	simm.s32 $0x1;
	s5 =	sadd.s32 $0x5000, s8;
	[sflag:s3] =	ssyncadd.s32 $0xFFFFFF80  }
0xb: {  	[tilespmem:s6], [sflag:$0x1] =	stream.indirect.gather [hbm4b:s5+s6], $0x80, s2, s6, $0xb8;
	[tilespmem:$0x4080] =	vst v63  }
0xc: {  	_ =	swait.ge [sflag:s7], $0x4000  }
0xd: {  	s23 =	sadd.s32 $0x45000, s8;
	s28 =	sshll.u32 s24, $0x4;
	[sflag:s7] =	ssyncset.done $0x0  }
0xe: {  	s8 =	sadd.s32 s23, s28;
	[sflag:s7] =	ssyncadd.s32 $0xFFFFC000  }
0xf: {  	[hbm4b:s8+s2] =	stream.linear.scatter [tilespmem:s6], [sflag:$0x2], $0x4000, $0x38;
	[tilespmem:$0x4080] =	vst v63  }
0x10: {  	s10 =	sor.u32 $0x80, s24;
	_ =	swait.ge [sflag:s3], $0x4000  }
0x11: {  	s9 =	sshrl.u32 s10, $0x3;
	[sflag:s3] =	ssyncset.done $0x0  }
0x12: {  	s9 =	sadd.s32 s21, s9;
	[sflag:s3] =	ssyncadd.s32 $0xFFFFC000  }
0x13: {  	[tilespmem:s2], [sflag:$0x2] =	stream.linear.gather [hbm4b:s9+s2], $0x80, $0x38;
	[tilespmem:$0x4080] =	vst v63  }
0x14: {  	_ =	swait.ge [sflag:s3], $0x80  }
0x15: {  	[sflag:s3] =	ssyncset.done $0x0  }
0x16: {  	[sflag:s3] =	ssyncadd.s32 $0xFFFFFF80  }
0x17: {  	[tilespmem:s6], [sflag:$0x1] =	stream.indirect.gather [hbm4b:s5+s6], $0x80, s2, s6, $0xb8;
	[tilespmem:$0x4080] =	vst v63  }
0x18: {  	_ =	swait.ge [sflag:s7], $0x4000  }
0x19: {  	s10 =	sshll.u32 s10, $0x4;
	[sflag:s7] =	ssyncset.done $0x0  }
0x1a: {  	s10 =	sadd.s32 s23, s10;
	[sflag:s7] =	ssyncadd.s32 $0xFFFFC000  }
0x1b: {  	[hbm4b:s10+s2] =	stream.linear.scatter [tilespmem:s6], [sflag:$0x2], $0x4000, $0x38;
	[tilespmem:$0x4080] =	vst v63  }
0x1c: {  	s12 =	sor.u32 $0x100, s24;
	_ =	swait.ge [sflag:s3], $0x4000  }
0x1d: {  	s11 =	sshrl.u32 s12, $0x3;
	[sflag:s3] =	ssyncset.done $0x0  }
0x1e: {  	s11 =	sadd.s32 s21, s11;
	[sflag:s3] =	ssyncadd.s32 $0xFFFFC000  }
0x1f: {  	[tilespmem:s2], [sflag:$0x2] =	stream.linear.gather [hbm4b:s11+s2], $0x80, $0x38;
	[tilespmem:$0x4080] =	vst v63  }
0x20: {  	_ =	swait.ge [sflag:s3], $0x80  }
0x21: {  	[sflag:s3] =	ssyncset.done $0x0  }
0x22: {  	[sflag:s3] =	ssyncadd.s32 $0xFFFFFF80  }
0x23: {  	[tilespmem:s6], [sflag:$0x1] =	stream.indirect.gather [hbm4b:s5+s6], $0x80, s2, s6, $0xb8;
	[tilespmem:$0x4080] =	vst v63  }
0x24: {  	_ =	swait.ge [sflag:s7], $0x4000  }
0x25: {  	s12 =	sshll.u32 s12, $0x4;
	[sflag:s7] =	ssyncset.done $0x0  }
0x26: {  	s12 =	sadd.s32 s23, s12;
	[sflag:s7] =	ssyncadd.s32 $0xFFFFC000  }
0x27: {  	[hbm4b:s12+s2] =	stream.linear.scatter [tilespmem:s6], [sflag:$0x2], $0x4000, $0x38;
	[tilespmem:$0x4080] =	vst v63  }
0x28: {  	s14 =	sor.u32 $0x180, s24;
	_ =	swait.ge [sflag:s3], $0x4000  }
0x29: {  	s13 =	sshrl.u32 s14, $0x3;
	[sflag:s3] =	ssyncset.done $0x0  }
0x2a: {  	s13 =	sadd.s32 s21, s13;
	[sflag:s3] =	ssyncadd.s32 $0xFFFFC000  }
0x2b: {  	[tilespmem:s2], [sflag:$0x2] =	stream.linear.gather [hbm4b:s13+s2], $0x80, $0x38;
	[tilespmem:$0x4080] =	vst v63  }
0x2c: {  	_ =	swait.ge [sflag:s3], $0x80  }
0x2d: {  	[sflag:s3] =	ssyncset.done $0x0  }
0x2e: {  	[sflag:s3] =	ssyncadd.s32 $0xFFFFFF80  }
0x2f: {  	[tilespmem:s6], [sflag:$0x1] =	stream.indirect.gather [hbm4b:s5+s6], $0x80, s2, s6, $0xb8;
	[tilespmem:$0x4080] =	vst v63  }
0x30: {  	_ =	swait.ge [sflag:s7], $0x4000  }
0x31: {  	s14 =	sshll.u32 s14, $0x4;
	[sflag:s7] =	ssyncset.done $0x0  }
0x32: {  	s14 =	sadd.s32 s23, s14;
	[sflag:s7] =	ssyncadd.s32 $0xFFFFC000  }
0x33: {  	[hbm4b:s14+s2] =	stream.linear.scatter [tilespmem:s6], [sflag:$0x2], $0x4000, $0x38;
	[tilespmem:$0x4080] =	vst v63  }
0x34: {  	s16 =	sor.u32 $0x200, s24;
	_ =	swait.ge [sflag:s3], $0x4000  }
0x35: {  	s15 =	sshrl.u32 s16, $0x3;
	[sflag:s3] =	ssyncset.done $0x0  }
0x36: {  	s15 =	sadd.s32 s21, s15;
	[sflag:s3] =	ssyncadd.s32 $0xFFFFC000  }
0x37: {  	[tilespmem:s2], [sflag:$0x2] =	stream.linear.gather [hbm4b:s15+s2], $0x80, $0x38;
	[tilespmem:$0x4080] =	vst v63  }
0x38: {  	_ =	swait.ge [sflag:s3], $0x80  }
0x39: {  	[sflag:s3] =	ssyncset.done $0x0  }
0x3a: {  	[sflag:s3] =	ssyncadd.s32 $0xFFFFFF80  }
0x3b: {  	[tilespmem:s6], [sflag:$0x1] =	stream.indirect.gather [hbm4b:s5+s6], $0x80, s2, s6, $0xb8;
	[tilespmem:$0x4080] =	vst v63  }
0x3c: {  	_ =	swait.ge [sflag:s7], $0x4000  }
0x3d: {  	s16 =	sshll.u32 s16, $0x4;
	[sflag:s7] =	ssyncset.done $0x0  }
0x3e: {  	s16 =	sadd.s32 s23, s16;
	[sflag:s7] =	ssyncadd.s32 $0xFFFFC000  }
0x3f: {  	[hbm4b:s16+s2] =	stream.linear.scatter [tilespmem:s6], [sflag:$0x2], $0x4000, $0x38;
	[tilespmem:$0x4080] =	vst v63  }
0x40: {  	s18 =	sor.u32 $0x280, s24;
	_ =	swait.ge [sflag:s3], $0x4000  }
0x41: {  	s17 =	sshrl.u32 s18, $0x3;
	[sflag:s3] =	ssyncset.done $0x0  }
0x42: {  	s17 =	sadd.s32 s21, s17;
	[sflag:s3] =	ssyncadd.s32 $0xFFFFC000  }
0x43: {  	[tilespmem:s2], [sflag:$0x2] =	stream.linear.gather [hbm4b:s17+s2], $0x80, $0x38;
	[tilespmem:$0x4080] =	vst v63  }
0x44: {  	_ =	swait.ge [sflag:s3], $0x80  }
0x45: {  	[sflag:s3] =	ssyncset.done $0x0  }
0x46: {  	[sflag:s3] =	ssyncadd.s32 $0xFFFFFF80  }
0x47: {  	[tilespmem:s6], [sflag:$0x1] =	stream.indirect.gather [hbm4b:s5+s6], $0x80, s2, s6, $0xb8;
	[tilespmem:$0x4080] =	vst v63  }
0x48: {  	_ =	swait.ge [sflag:s7], $0x4000  }
0x49: {  	s18 =	sshll.u32 s18, $0x4;
	[sflag:s7] =	ssyncset.done $0x0  }
0x4a: {  	s18 =	sadd.s32 s23, s18;
	[sflag:s7] =	ssyncadd.s32 $0xFFFFC000  }
0x4b: {  	[hbm4b:s18+s2] =	stream.linear.scatter [tilespmem:s6], [sflag:$0x2], $0x4000, $0x38;
	[tilespmem:$0x4080] =	vst v63  }
0x4c: {  	s20 =	sor.u32 $0x300, s24;
	_ =	swait.ge [sflag:s3], $0x4000  }
0x4d: {  	s19 =	sshrl.u32 s20, $0x3;
	[sflag:s3] =	ssyncset.done $0x0  }
0x4e: {  	s19 =	sadd.s32 s21, s19;
	[sflag:s3] =	ssyncadd.s32 $0xFFFFC000  }
0x4f: {  	[tilespmem:s2], [sflag:$0x2] =	stream.linear.gather [hbm4b:s19+s2], $0x80, $0x38;
	[tilespmem:$0x4080] =	vst v63  }
0x50: {  	_ =	swait.ge [sflag:s3], $0x80  }
0x51: {  	[sflag:s3] =	ssyncset.done $0x0  }
0x52: {  	[sflag:s3] =	ssyncadd.s32 $0xFFFFFF80  }
0x53: {  	[tilespmem:s6], [sflag:$0x1] =	stream.indirect.gather [hbm4b:s5+s6], $0x80, s2, s6, $0xb8;
	[tilespmem:$0x4080] =	vst v63  }
0x54: {  	_ =	swait.ge [sflag:s7], $0x4000  }
0x55: {  	s20 =	sshll.u32 s20, $0x4;
	[sflag:s7] =	ssyncset.done $0x0  }
0x56: {  	s20 =	sadd.s32 s23, s20;
	[sflag:s7] =	ssyncadd.s32 $0xFFFFC000  }
0x57: {  	[hbm4b:s20+s2] =	stream.linear.scatter [tilespmem:s6], [sflag:$0x2], $0x4000, $0x38;
	[tilespmem:$0x4080] =	vst v63  }
0x58: {  	s24 =	sor.u32 $0x380, s24;
	_ =	swait.ge [sflag:s3], $0x4000  }
0x59: {  	s25 =	sshrl.u32 s24, $0x3;
	[sflag:s3] =	ssyncset.done $0x0  }
0x5a: {  	s22 =	ssub.s32 $0x2, s22;
	s21 =	sadd.s32 s21, s25;
	[sflag:s3] =	ssyncadd.s32 $0xFFFFC000  }
0x5b: {  	[tilespmem:s2], [sflag:$0x2] =	stream.linear.gather [hbm4b:s21+s2], $0x80, $0x38;
	[tilespmem:$0x4080] =	vst v63  }
0x5c: {  	s29 =	sshrl.u32 s22, $0x1;
	_ =	swait.ge [sflag:s3], $0x80  }
0x5d: {  	s25 =	ssub.s32 s22, s29;
	[sflag:s3] =	ssyncset.done $0x0  }
0x5e: {  	s31 =	smax.u32 s25, $0x1;
	[sflag:s3] =	ssyncadd.s32 $0xFFFFFF80  }
0x5f: {  	[tilespmem:s6], [sflag:$0x1] =	stream.indirect.gather [hbm4b:s5+s6], $0x80, s2, s6, $0xb8;
	[tilespmem:$0x4080] =	vst v63  }
0x60: {  	p0 =	sne.s32 s31, $0x1;
	_ =	swait.ge [sflag:s7], $0x4000  }
.Ltmp0:
0x61: {  	s30 =	sshll.u32 s24, $0x4;
	[sflag:s7] =	ssyncset.done $0x0;
	(pc) =	sbr.rel @!p0 .LBB2_2-.Ltmp0, $4  }
0x62: {  	s22 =	sadd.s32 s23, s30;
	[sflag:s7] =	ssyncadd.s32 $0xFFFFC000  }
0x63: {  	[hbm4b:s22+s2] =	stream.linear.scatter [tilespmem:s6], [sflag:$0x2], $0x4000, $0x38;
	[tilespmem:$0x4080] =	vst v63  }
0x64: {  	_ =	swait.ge [sflag:s3], $0x4000  }
0x65: {  	s23 =	sadd.s32 $0xFFFFFFFF, s31;
	[sflag:s3] =	ssyncset.done $0x0  }
.LBB2_1:
0x66: {  	p0 =	sne.s32 s23, $0x1;
	s23 =	sadd.s32 $0xFFFFFFFF, s23;
	[sflag:s3] =	ssyncadd.s32 $0xFFFFC000  }
0x67: {  	[tilespmem:s2], [sflag:$0x2] =	stream.linear.gather [hbm4b:s4+s2], $0x80, $0x38;
	[tilespmem:$0x4080] =	vst v63  }
0x68: {  	_ =	swait.ge [sflag:s3], $0x80  }
0x69: {  	[sflag:s3] =	ssyncset.done $0x0  }
0x6a: {  	[sflag:s3] =	ssyncadd.s32 $0xFFFFFF80  }
0x6b: {  	[tilespmem:s6], [sflag:$0x1] =	stream.indirect.gather [hbm4b:s5+s6], $0x80, s2, s6, $0xb8;
	[tilespmem:$0x4080] =	vst v63  }
0x6c: {  	_ =	swait.ge [sflag:s7], $0x4000  }
0x6d: {  	[sflag:s7] =	ssyncset.done $0x0  }
0x6e: {  	[sflag:s7] =	ssyncadd.s32 $0xFFFFC000  }
0x6f: {  	[hbm4b:s8+s2] =	stream.linear.scatter [tilespmem:s6], [sflag:$0x2], $0x4000, $0x38;
	[tilespmem:$0x4080] =	vst v63  }
0x70: {  	_ =	swait.ge [sflag:s3], $0x4000  }
0x71: {  	[sflag:s3] =	ssyncset.done $0x0  }
0x72: {  	[sflag:s3] =	ssyncadd.s32 $0xFFFFC000  }
0x73: {  	[tilespmem:s2], [sflag:$0x2] =	stream.linear.gather [hbm4b:s9+s2], $0x80, $0x38;
	[tilespmem:$0x4080] =	vst v63  }
0x74: {  	_ =	swait.ge [sflag:s3], $0x80  }
0x75: {  	[sflag:s3] =	ssyncset.done $0x0  }
0x76: {  	[sflag:s3] =	ssyncadd.s32 $0xFFFFFF80  }
0x77: {  	[tilespmem:s6], [sflag:$0x1] =	stream.indirect.gather [hbm4b:s5+s6], $0x80, s2, s6, $0xb8;
	[tilespmem:$0x4080] =	vst v63  }
0x78: {  	_ =	swait.ge [sflag:s7], $0x4000  }
0x79: {  	[sflag:s7] =	ssyncset.done $0x0  }
0x7a: {  	[sflag:s7] =	ssyncadd.s32 $0xFFFFC000  }
0x7b: {  	[hbm4b:s10+s2] =	stream.linear.scatter [tilespmem:s6], [sflag:$0x2], $0x4000, $0x38;
	[tilespmem:$0x4080] =	vst v63  }
0x7c: {  	_ =	swait.ge [sflag:s3], $0x4000  }
0x7d: {  	[sflag:s3] =	ssyncset.done $0x0  }
0x7e: {  	[sflag:s3] =	ssyncadd.s32 $0xFFFFC000  }
0x7f: {  	[tilespmem:s2], [sflag:$0x2] =	stream.linear.gather [hbm4b:s11+s2], $0x80, $0x38;
	[tilespmem:$0x4080] =	vst v63  }
0x80: {  	_ =	swait.ge [sflag:s3], $0x80  }
0x81: {  	[sflag:s3] =	ssyncset.done $0x0  }
0x82: {  	[sflag:s3] =	ssyncadd.s32 $0xFFFFFF80  }
0x83: {  	[tilespmem:s6], [sflag:$0x1] =	stream.indirect.gather [hbm4b:s5+s6], $0x80, s2, s6, $0xb8;
	[tilespmem:$0x4080] =	vst v63  }
0x84: {  	_ =	swait.ge [sflag:s7], $0x4000  }
0x85: {  	[sflag:s7] =	ssyncset.done $0x0  }
0x86: {  	[sflag:s7] =	ssyncadd.s32 $0xFFFFC000  }
0x87: {  	[hbm4b:s12+s2] =	stream.linear.scatter [tilespmem:s6], [sflag:$0x2], $0x4000, $0x38;
	[tilespmem:$0x4080] =	vst v63  }
0x88: {  	_ =	swait.ge [sflag:s3], $0x4000  }
0x89: {  	[sflag:s3] =	ssyncset.done $0x0  }
0x8a: {  	[sflag:s3] =	ssyncadd.s32 $0xFFFFC000  }
0x8b: {  	[tilespmem:s2], [sflag:$0x2] =	stream.linear.gather [hbm4b:s13+s2], $0x80, $0x38;
	[tilespmem:$0x4080] =	vst v63  }
0x8c: {  	_ =	swait.ge [sflag:s3], $0x80  }
0x8d: {  	[sflag:s3] =	ssyncset.done $0x0  }
0x8e: {  	[sflag:s3] =	ssyncadd.s32 $0xFFFFFF80  }
0x8f: {  	[tilespmem:s6], [sflag:$0x1] =	stream.indirect.gather [hbm4b:s5+s6], $0x80, s2, s6, $0xb8;
	[tilespmem:$0x4080] =	vst v63  }
0x90: {  	_ =	swait.ge [sflag:s7], $0x4000  }
0x91: {  	[sflag:s7] =	ssyncset.done $0x0  }
0x92: {  	[sflag:s7] =	ssyncadd.s32 $0xFFFFC000  }
0x93: {  	[hbm4b:s14+s2] =	stream.linear.scatter [tilespmem:s6], [sflag:$0x2], $0x4000, $0x38;
	[tilespmem:$0x4080] =	vst v63  }
0x94: {  	_ =	swait.ge [sflag:s3], $0x4000  }
0x95: {  	[sflag:s3] =	ssyncset.done $0x0  }
0x96: {  	[sflag:s3] =	ssyncadd.s32 $0xFFFFC000  }
0x97: {  	[tilespmem:s2], [sflag:$0x2] =	stream.linear.gather [hbm4b:s15+s2], $0x80, $0x38;
	[tilespmem:$0x4080] =	vst v63  }
0x98: {  	_ =	swait.ge [sflag:s3], $0x80  }
0x99: {  	[sflag:s3] =	ssyncset.done $0x0  }
0x9a: {  	[sflag:s3] =	ssyncadd.s32 $0xFFFFFF80  }
0x9b: {  	[tilespmem:s6], [sflag:$0x1] =	stream.indirect.gather [hbm4b:s5+s6], $0x80, s2, s6, $0xb8;
	[tilespmem:$0x4080] =	vst v63  }
0x9c: {  	_ =	swait.ge [sflag:s7], $0x4000  }
0x9d: {  	[sflag:s7] =	ssyncset.done $0x0  }
0x9e: {  	[sflag:s7] =	ssyncadd.s32 $0xFFFFC000  }
0x9f: {  	[hbm4b:s16+s2] =	stream.linear.scatter [tilespmem:s6], [sflag:$0x2], $0x4000, $0x38;
	[tilespmem:$0x4080] =	vst v63  }
0xa0: {  	_ =	swait.ge [sflag:s3], $0x4000  }
0xa1: {  	[sflag:s3] =	ssyncset.done $0x0  }
0xa2: {  	[sflag:s3] =	ssyncadd.s32 $0xFFFFC000  }
0xa3: {  	[tilespmem:s2], [sflag:$0x2] =	stream.linear.gather [hbm4b:s17+s2], $0x80, $0x38;
	[tilespmem:$0x4080] =	vst v63  }
0xa4: {  	_ =	swait.ge [sflag:s3], $0x80  }
0xa5: {  	[sflag:s3] =	ssyncset.done $0x0  }
0xa6: {  	[sflag:s3] =	ssyncadd.s32 $0xFFFFFF80  }
0xa7: {  	[tilespmem:s6], [sflag:$0x1] =	stream.indirect.gather [hbm4b:s5+s6], $0x80, s2, s6, $0xb8;
	[tilespmem:$0x4080] =	vst v63  }
0xa8: {  	_ =	swait.ge [sflag:s7], $0x4000  }
0xa9: {  	[sflag:s7] =	ssyncset.done $0x0  }
0xaa: {  	[sflag:s7] =	ssyncadd.s32 $0xFFFFC000  }
0xab: {  	[hbm4b:s18+s2] =	stream.linear.scatter [tilespmem:s6], [sflag:$0x2], $0x4000, $0x38;
	[tilespmem:$0x4080] =	vst v63  }
0xac: {  	_ =	swait.ge [sflag:s3], $0x4000  }
0xad: {  	[sflag:s3] =	ssyncset.done $0x0  }
0xae: {  	[sflag:s3] =	ssyncadd.s32 $0xFFFFC000  }
0xaf: {  	[tilespmem:s2], [sflag:$0x2] =	stream.linear.gather [hbm4b:s19+s2], $0x80, $0x38;
	[tilespmem:$0x4080] =	vst v63  }
0xb0: {  	_ =	swait.ge [sflag:s3], $0x80  }
0xb1: {  	[sflag:s3] =	ssyncset.done $0x0  }
0xb2: {  	[sflag:s3] =	ssyncadd.s32 $0xFFFFFF80  }
0xb3: {  	[tilespmem:s6], [sflag:$0x1] =	stream.indirect.gather [hbm4b:s5+s6], $0x80, s2, s6, $0xb8;
	[tilespmem:$0x4080] =	vst v63  }
0xb4: {  	_ =	swait.ge [sflag:s7], $0x4000  }
0xb5: {  	[sflag:s7] =	ssyncset.done $0x0  }
0xb6: {  	[sflag:s7] =	ssyncadd.s32 $0xFFFFC000  }
0xb7: {  	[hbm4b:s20+s2] =	stream.linear.scatter [tilespmem:s6], [sflag:$0x2], $0x4000, $0x38;
	[tilespmem:$0x4080] =	vst v63  }
0xb8: {  	_ =	swait.ge [sflag:s3], $0x4000  }
0xb9: {  	[sflag:s3] =	ssyncset.done $0x0  }
0xba: {  	[sflag:s3] =	ssyncadd.s32 $0xFFFFC000  }
0xbb: {  	[tilespmem:s2], [sflag:$0x2] =	stream.linear.gather [hbm4b:s21+s2], $0x80, $0x38;
	[tilespmem:$0x4080] =	vst v63  }
0xbc: {  	_ =	swait.ge [sflag:s3], $0x80  }
0xbd: {  	[sflag:s3] =	ssyncset.done $0x0  }
0xbe: {  	[sflag:s3] =	ssyncadd.s32 $0xFFFFFF80  }
0xbf: {  	[tilespmem:s6], [sflag:$0x1] =	stream.indirect.gather [hbm4b:s5+s6], $0x80, s2, s6, $0xb8;
	[tilespmem:$0x4080] =	vst v63  }
0xc0: {  	_ =	swait.ge [sflag:s7], $0x4000  }
.Ltmp1:
0xc1: {  	[sflag:s7] =	ssyncset.done $0x0;
	(pc) =	sbr.rel @p0 .LBB2_1-.Ltmp1, $4  }
0xc2: {  	[sflag:s7] =	ssyncadd.s32 $0xFFFFC000  }
0xc3: {  	[hbm4b:s22+s2] =	stream.linear.scatter [tilespmem:s6], [sflag:$0x2], $0x4000, $0x38;
	[tilespmem:$0x4080] =	vst v63  }
0xc4: {  	_ =	swait.ge [sflag:s3], $0x4000  }
0xc5: {  	[sflag:s3] =	ssyncset.done $0x0  }
.LBB2_2:
0xc6: {  	[sflag:s3] =	ssyncadd.s32 $0xFFFFC000  }
0xc7: {  	_ =	sfence.sel $0x180000  }
0xc8: {  	[bflag:$0x0] =	sbarrier.arrive $0xFFFF  }
0xc9: {  	p0 =	sne.s32 s0, $0x0;
	_ =	strace $0x90000047  }
0xca: {  	s0 =	sadd.s32 @!p0 $0x100000, s1;
	[bflag:$0x2] =	sbarrier.arrive $0xFFFF  }
0xcb: {  	[sflag:s0] =	ssyncadd.tile.s32 @!p0 $0x1;
	_ =	shalt  }
.Lfunc_end2:
_tile_overlayer_lowered:
.L_overlay_start_2:
0xcc: {  	(tag) =	ssettag $0x2  }
0xcd: {  	s0 =	rddreg [dreg:$0x0];
	s2 =	stileid.u32  }
0xce: {  	s1 =	rddreg [dreg:$0x1];
	p0 =	sne.s32 s2, $0x0  }
0xcf: {  	s3 =	rddreg [dreg:$0x2];
	[bflag:$0x3] =	sbarrier.arrive $0xFFFF;
	s2 =	simm.s32 @!p0 $0x1C02  }
0xd0: {  	[timem:s3], [sflag:s2] =	dma.local @!p0 [hbm:s0], s1  }
0xd1: {  	s0 =	simm.s32 @!p0 $0x2  }
0xd2: {  	_ =	swait.ge @!p0 [sflag:s0], s1  }
0xd3: {  	s1 =	ssub.s32 @!p0 $0x0, s1;
	[sflag:s0] =	ssyncset.done @!p0 $0x0  }
0xd4: {  	[sflag:s0] =	ssyncadd.s32 @!p0 s1  }
0xd5: {  	[bflag:$0x3] =	sbarrier.arrive $0xFFFF  }
0xd6: {  	_ =	shalt  }

// kernel: kernel.8.cloned.1.call-start
scs
__scs_entry_jumppad:
0x0: {  	(pc) =	sbr.rel $0x88, $3  }
0x1: {  	(tag) =	ssettag $0x0;
	lr =	simm.s32 $0x1  }
0x2: {  	[smem:$0x3F83] =	sst lr;
	_ =	strace $0xD0000000  }
0x3: {  	_ = 	snop  }
0x4: {  	_ = 	snop  }
0x5: {  	_ = 	snop  }
0x6: {  	_ = 	snop  }
0x7: {  	_ = 	snop  }
__scs_overlays_trampoline_lowered:
0x8: {  	[smem:$0x3F92] =	sst s0  }
0x9: {  	[smem:$0x3F93] =	sst s1  }
0xa: {  	[smem:$0x3F94] =	sst s2  }
0xb: {  	[smem:$0x3F95] =	sst s3  }
0xc: {  	[smem:$0x3F96] =	sst s4  }
0xd: {  	[smem:$0x3F97] =	sst s5  }
0xe: {  	[smem:$0x3F98] =	sst s6  }
0xf: {  	[smem:$0x3F99] =	sst s7  }
0x10: {  	[smem:$0x3F9A] =	sst s8  }
0x11: {  	[smem:$0x3F9B] =	sst s9;
	s0 =	simm.s32 @!p0 $0x0  }
0x12: {  	s1 =	sld [smem:$0x3F81];
	s0 =	simm.s32 @p0 $0x1  }
0x13: {  	[smem:$0x3F9C] =	sst s0;
	s0 =	simm.s32 @!p1 $0x0  }
0x14: {  	s2 =	sld [smem:$0x3F80];
	s0 =	simm.s32 @p1 $0x1  }
0x15: {  	[smem:$0x3F9D] =	sst s0;
	s0 =	simm.s32 @!p2 $0x0  }
0x16: {  	s3 =	sld [smem:$0x3FDB];
	s0 =	simm.s32 @p2 $0x1  }
0x17: {  	s4 =	simm.s32 $0x1BF5;
	[smem:$0x3F9F] =	sst s0  }
0x18: {  	s0 =	sld [smem:$0x3F82];
	_ =	swait.ge [sflag:s4], $0x0  }
0x19: {  	s7 =	sld [smem:$0x3F83]  }
0x1a: {  	s8 =	sadd.s32 $0xFFFFE003, lr  }
0x1b: {  	s9 =	sadd.s32 $0xFFFFFEF7, lr;
	s5 =	simm.s32 $0xFFFFFFFF;
	p2 =	slt.u32 s8, $0xFFFFF086  }
0x1c: {  	p1 =	slt.u32 s9, $0xF7A;
	s5 =	simm.s32 @!p2 $0x0  }
0x1d: {  	s5 =	simm.s32 @p1 $0x1;
	p0 =	seq.s32 s7, s2  }
0x1e: {  	s7 =	smul.u32 @!p0 $0xF7A, s2;
	p2 =	seq.s32 @!p0 s5, $0x0  }
0x1f: {  	s9 =	smul.u32 $0xF7A, s1;
	s8 =	simm.s32 @!p0 $0x1BF5;
	p2 =	por !p2, p0  }
0x20: {  	[sflag:s8] =	ssyncset.s32 @!p0 $0xFFFFF086;
	s6 =	sadd.s32 @!p0 s3, s7;
	s7 =	simm.s32 @!p0 $0x108  }
0x21: {  	s3 =	sadd.s32 s3, s9;
	s6 =	sadd.s32 @!p0 $0x88, s6;
	s7 =	simm.s32 @p2 $0x1082  }
0x22: {  	[simem:s7], [sflag:s8] =	dma.local @!p0 [hbm:s6], $0xF7A  }
0x23: {  	s9 =	sor.u32 $0xD0000000, s2;
	s6 =	simm.s32 $0x108;
	_ =	swait.ge @!p0 [sflag:s8], $0x0  }
0x24: {  	s3 =	sadd.s32 $0x88, s3;
	s6 =	simm.s32 @!p1 $0x1082;
	[sflag:s4] =	ssyncset.s32 $0xFFFFF086  }
0x25: {  	[simem:s6], [sflag:s4] =	dma.local [hbm:s3], $0xF7A  }
0x26: {  	[smem:$0x3F83] =	sst s1;
	(tag) =	ssettag s2;
	_ =	strace s9  }
0x27: {  	s1 =	sld [smem:$0x3F93]  }
0x28: {  	s2 =	sld [smem:$0x3F94]  }
0x29: {  	s4 =	sld [smem:$0x3F96]  }
0x2a: {  	p0 =	seq.s32 s5, $0x0;
	s5 =	sld [smem:$0x3F97]  }
0x2b: {  	s6 =	sld [smem:$0x3F98]  }
0x2c: {  	s7 =	sld [smem:$0x3F99]  }
0x2d: {  	s3 =	simm.s32 $0x108;
	s8 =	sld [smem:$0x3F9A]  }
0x2e: {  	s3 =	simm.s32 @!p0 $0x1082;
	s9 =	sld [smem:$0x3F9B]  }
0x2f: {  	lr =	sadd.s32 s0, s3;
	s0 =	sld [smem:$0x3F92]  }
0x30: {  	s3 =	sld [smem:$0x3F95]  }
0x31: {  	[smem:$0x3F9E] =	sst s10  }
0x32: {  	s10 =	sld [smem:$0x3F9C];
	_ =	sdelay $0x3  }
0x33: {  	p0 =	seq.s32 s10, $0x1;
	s10 =	sld [smem:$0x3F9E];
	_ =	sdelay $0x3  }
0x34: {  	[smem:$0x3F9E] =	sst s10  }
0x35: {  	s10 =	sld [smem:$0x3F9D];
	_ =	sdelay $0x3  }
0x36: {  	p1 =	seq.s32 s10, $0x1;
	s10 =	sld [smem:$0x3F9E];
	_ =	sdelay $0x3  }
0x37: {  	[smem:$0x3F9E] =	sst s10  }
0x38: {  	s10 =	sld [smem:$0x3F9F]  }
0x39: {  	_ = 	snop;
	(pc) =	sbr.ind lr, $3  }
0x3a: {  	_ = 	snop  }
0x3b: {  	_ = 	snop  }
0x3c: {  	p2 =	seq.s32 s10, $0x1;
	s10 =	sld [smem:$0x3F9E]  }
0x3d: {  	_ =	shalt  }
0x3e: {  	_ =	shalt  }
0x3f: {  	_ =	shalt  }
0x40: {  	_ =	shalt  }
0x41: {  	_ =	shalt  }
0x42: {  	_ =	shalt  }
0x43: {  	_ =	shalt  }
0x44: {  	_ =	shalt  }
0x45: {  	_ =	shalt  }
0x46: {  	_ =	shalt  }
0x47: {  	_ =	shalt  }
0x48: {  	_ =	shalt  }
0x49: {  	_ =	shalt  }
0x4a: {  	_ =	shalt  }
0x4b: {  	_ =	shalt  }
0x4c: {  	_ =	shalt  }
0x4d: {  	_ =	shalt  }
0x4e: {  	_ =	shalt  }
0x4f: {  	_ =	shalt  }
0x50: {  	_ =	shalt  }
0x51: {  	_ =	shalt  }
0x52: {  	_ =	shalt  }
0x53: {  	_ =	shalt  }
0x54: {  	_ =	shalt  }
0x55: {  	_ =	shalt  }
0x56: {  	_ =	shalt  }
0x57: {  	_ =	shalt  }
0x58: {  	_ =	shalt  }
0x59: {  	_ =	shalt  }
0x5a: {  	_ =	shalt  }
0x5b: {  	_ =	shalt  }
0x5c: {  	_ =	shalt  }
0x5d: {  	_ =	shalt  }
0x5e: {  	_ =	shalt  }
0x5f: {  	_ =	shalt  }
0x60: {  	_ =	shalt  }
0x61: {  	_ =	shalt  }
0x62: {  	_ =	shalt  }
0x63: {  	_ =	shalt  }
0x64: {  	_ =	shalt  }
0x65: {  	_ =	shalt  }
0x66: {  	_ =	shalt  }
0x67: {  	_ =	shalt  }
0x68: {  	_ =	shalt  }
0x69: {  	_ =	shalt  }
0x6a: {  	_ =	shalt  }
0x6b: {  	_ =	shalt  }
0x6c: {  	_ =	shalt  }
0x6d: {  	_ =	shalt  }
0x6e: {  	_ =	shalt  }
0x6f: {  	_ =	shalt  }
0x70: {  	_ =	shalt  }
0x71: {  	_ =	shalt  }
0x72: {  	_ =	shalt  }
0x73: {  	_ =	shalt  }
0x74: {  	_ =	shalt  }
0x75: {  	_ =	shalt  }
0x76: {  	_ =	shalt  }
0x77: {  	_ =	shalt  }
0x78: {  	_ =	shalt  }
0x79: {  	_ =	shalt  }
0x7a: {  	_ =	shalt  }
0x7b: {  	_ =	shalt  }
0x7c: {  	_ =	shalt  }
0x7d: {  	_ =	shalt  }
0x7e: {  	_ =	shalt  }
0x7f: {  	_ =	shalt  }
0x80: {  	_ =	shalt  }
0x81: {  	_ =	shalt  }
0x82: {  	_ =	shalt  }
0x83: {  	_ =	shalt  }
0x84: {  	_ =	shalt  }
0x85: {  	_ =	shalt  }
0x86: {  	_ =	shalt  }
0x87: {  	_ =	shalt  }
.Lfunc_end0:
.L_simem_size_0:
called_computation_lowered:
.L_overlay_start_0:
0x88: {  	s2 =	sld [smem:$0x3FD9]  }
0x89: {  	s3 =	sld [smem:$0x3FFE];
	_ =	sdelay $0x1  }
0x8a: {  	s1 =	srdreg.scid  }
0x8b: {  	s0 =	sand.u32 $0x1, s1  }
0x8c: {  	s17 =	sshll.u32 s0, $0xA;
	s2 =	sadd.s32 s3, s2  }
0x8d: {  	s2 =	sadd.s32 s2, s17  }
0x8e: {  	[smem:$0x3FAA] =	sst s2  }
0x8f: {  	_ = 	snop  }
0x90: {  	(tm) =	ssettm $0x1  }
0x91: {  	s18 =	sld [smem:$0x3FFB];
	_ =	sdelay $0x3  }
0x92: {  	_ =	strace s18  }
0x93: {  	s2 =	sld [smem:$0x3FFC];
	_ =	sdelay $0x3  }
0x94: {  	_ =	strace s2  }
0x95: {  	s2 =	sld [smem:$0x3FFD];
	_ =	sdelay $0x3  }
0x96: {  	_ =	strace s2  }
0x97: {  	_ =	strace $0x8FFFFFFF  }
0x98: {  	s19 =	sld [smem:$0x3FDB];
	_ =	sdelay $0x1  }
0x99: {  	s20 =	simm.s32 $_scs_section_size  }
0x9a: {  	s4 =	simm.s32 $_size__tile_overlayer_lowered;
	s5 =	simm.s32 $_tile_overlayer_lowered  }
0x9b: {  	s6 =	simm.s32 $0x1BFF;
	s21 =	sshll.u32 s5, $0x1;
	s3 =	sadd.s32 s20, s19  }
0x9c: {  	s22 =	simm.s32 $0x0;
	s4 =	sshll.u32 s4, $0x1;
	s5 =	sadd.s32 s21, s3  }
0x9d: {  	[timem:s22], [sflag:s6] =	dma.local [hbm:s5], s4  }
0x9e: {  	_ =	swait.ge [sflag:s6], s4  }
0x9f: {  	s4 =	ssub.s32 $0x0, s4;
	[sflag:s6] =	ssyncset.done $0x0  }
0xa0: {  	[sflag:s6] =	ssyncadd.s32 s4;
	_ =	sdelay $0x1  }
0xa1: {  	s23 =	simm.s32 $0x1B8B  }
0xa2: {  	_ =	swait.ge [sflag:s23], $0x1  }
0xa3: {  	[sflag:s23] =	ssyncset.done $0x0  }
0xa4: {  	[sflag:s23] =	ssyncadd.s32 $0xFFFFFFFF  }
0xa5: {  	s4 =	sld [smem:$0x0]  }
0xa6: {  	s5 =	sand.u32 $0xFFFFFFFE, s1  }
0xa7: {  	p0 =	sne.s32 s1, s5  }
0xa8: {  	s5 =	sshll.u32 @p0 s5, $0xE  }
0xa9: {  	s5 =	sadd.s32 @p0 $0x11B8D, s5;
	s6 =	sshll.u32 @p0 s4, $0x11  }
0xaa: {  	s5 =	sor.u32 @p0 s6, s5  }
0xab: {  	[sflag:s5] =	ssyncadd.remote.s32 @p0 $0x1;
	_ =	sdelay $0x1  }
0xac: {  	s5 =	simm.s32 @p0 $0x1B8D  }
0xad: {  	_ =	swait.eq @p0 [sflag:s5], $0x1  }
0xae: {  	[sflag:s5] =	ssyncadd.s32 @p0 $0xFFFFFFFF  }
0xaf: {  	s6 =	sshll.u32 @!p0 s1, $0xE  }
0xb0: {  	s6 =	sor.u32 @!p0 $0x4000, s6;
	s5 =	simm.s32 @!p0 $0x1B8D  }
0xb1: {  	s4 =	sshll.u32 @!p0 s4, $0x11;
	s6 =	sadd.s32 @!p0 $0x11B8D, s6;
	_ =	swait.eq @!p0 [sflag:s5], $0x1  }
0xb2: {  	s4 =	sor.u32 @!p0 s4, s6;
	[sflag:s5] =	ssyncadd.s32 @!p0 $0xFFFFFFFF  }
0xb3: {  	s25 =	simm.s32 $0x1B8E;
	s24 =	sld [smem:$0x3FFE];
	[sflag:s4] =	ssyncadd.remote.s32 @!p0 $0x1  }
0xb4: {  	s26 =	simm.s32 $execute0_lowered;
	[smem:$0x3FD2] =	sst s25  }
0xb5: {  	s5 =	sshll.u32 s26, $0x1;
	_ =	strace $0x80000049;
	[dreg:$0x1] =	wrdreg $0xFFFFFFFF  }
0xb6: {  	s28 =	simm.s32 $_size_execute0_lowered;
	s3 =	sadd.s32 s3, s5;
	[dreg:$0x0] =	wrdreg $0x0  }
0xb7: {  	s5 =	sshll.u32 s28, $0x1;
	[dreg:$0x2] =	wrdreg s3  }
0xb8: {  	[dreg:$0x3] =	wrdreg s5  }
0xb9: {  	[dreg:$0x4] =	wrdreg $0xC0  }
0xba: {  	_ =	task [dreg:s22], $0x5FFFF  }
0xbb: {  	[dreg:$0x1] =	wrdreg $0xFFFFFFFF  }
0xbc: {  	[dreg:$0x0] =	wrdreg $0x60  }
0xbd: {  	[dreg:$0x2] =	wrdreg s24  }
0xbe: {  	[dreg:$0x3] =	wrdreg $0x9  }
0xbf: {  	_ =	task.clear_ibuf [dreg:s22], $0x4FFFF;
	_ =	strace $0x90000049  }
0xc0: {  	s29 =	simm.s32 $0x9;
	_ =	strace $0x8000004B  }
0xc1: {  	_ =	swait.ge [sflag:s29], $0x1  }
0xc2: {  	[sflag:s29] =	ssyncadd.s32 $0xFFFFFFFF  }
0xc3: {  	_ =	strace $0x9000004B  }
0xc4: {  	_ =	sfence  }
0xc5: {  	s30 =	sld [smem:$0x0];
	_ =	sdelay $0x2  }
0xc6: {  	s31 =	sshll.u32 s1, $0xD;
	s1 =	sshrl.u32 s1, $0x2  }
0xc7: {  	s4 =	sand.u32 $0x4000, s31;
	s1 =	sadd.s32 s1, s30  }
0xc8: {  	s0 =	sor.u32 s4, s0;
	s1 =	sshll.u32 s1, $0x11  }
0xc9: {  	s0 =	sor.u32 s1, s0  }
0xca: {  	s0 =	sadd.s32 $0x8F2B, s0  }
0xcb: {  	[sflag:s0] =	ssyncadd.remote.s32 $0x1  }
0xcc: {  	_ =	sfence.sel $0xFFFF  }
0xcd: {  	[dreg:$0x0] =	wrdreg $0xFFFFFFFF;
	(pc) =	sbr.abs _section_cstart, $3  }
0xce: {  	[dreg:$0x1] =	wrdreg $0xFFFFFFFF  }
0xcf: {  	_ =	task.clear_ibuf [dreg:s22], $0x2FFFF;
	_ =	strace $0x9FFFFFFF  }
0xd0: {  	(tm) =	ssettm $0x7FFFFFFF  }
0xd1: {  	_ =	shalt  }
tec
execute0_lowered:
.L_overlay_start_1:
0x0: {  	(tag) =	ssettag $0x1  }
0x1: {  	s1 =	srdreg.scid  }
0x2: {  	s0 =	stileid.u32;
	s22 =	sand.u32 $0x1, s1  }
0x3: {  	s8 =	rddreg [dreg:$0x0];
	s3 =	sshll.u32 s0, $0xB;
	s4 =	sshll.u32 s22, $0xA  }
0x4: {  	s2 =	simm.s32 $0x0;
	s1 =	rddreg [dreg:$0x1];
	s24 =	sor.u32 s4, s3  }
0x5: {  	[smem:$0x7FF] =	sst s2;
	s21 =	sadd.s32 $0xC5000, s8;
	s3 =	sshrl.u32 s24, $0x3  }
0x6: {  	_ =	strace $0x8000004A;
	s4 =	sadd.s32 s21, s3;
	s3 =	simm.s32 $0x2  }
0x7: {  	[tilespmem:s2], [sflag:$0x2] =	stream.linear.gather [hbm4b:s4+s2], $0x80, $0x38;
	[tilespmem:$0x4080] =	vst v63  }
0x8: {  	_ =	swait.ge [sflag:s3], $0x80  }
0x9: {  	s6 =	simm.s32 $0x80;
	[sflag:s3] =	ssyncset.done $0x0  }
0xa: {  	s7 =	simm.s32 $0x1;
	s5 =	sadd.s32 $0x5000, s8;
	[sflag:s3] =	ssyncadd.s32 $0xFFFFFF80  }
0xb: {  	[tilespmem:s6], [sflag:$0x1] =	stream.indirect.gather [hbm4b:s5+s6], $0x80, s2, s6, $0xb8;
	[tilespmem:$0x4080] =	vst v63  }
0xc: {  	_ =	swait.ge [sflag:s7], $0x4000  }
0xd: {  	s23 =	sadd.s32 $0xC6000, s8;
	s28 =	sshll.u32 s24, $0x4;
	[sflag:s7] =	ssyncset.done $0x0  }
0xe: {  	s8 =	sadd.s32 s23, s28;
	[sflag:s7] =	ssyncadd.s32 $0xFFFFC000  }
0xf: {  	[hbm4b:s8+s2] =	stream.linear.scatter [tilespmem:s6], [sflag:$0x2], $0x4000, $0x38;
	[tilespmem:$0x4080] =	vst v63  }
0x10: {  	s10 =	sor.u32 $0x80, s24;
	_ =	swait.ge [sflag:s3], $0x4000  }
0x11: {  	s9 =	sshrl.u32 s10, $0x3;
	[sflag:s3] =	ssyncset.done $0x0  }
0x12: {  	s9 =	sadd.s32 s21, s9;
	[sflag:s3] =	ssyncadd.s32 $0xFFFFC000  }
0x13: {  	[tilespmem:s2], [sflag:$0x2] =	stream.linear.gather [hbm4b:s9+s2], $0x80, $0x38;
	[tilespmem:$0x4080] =	vst v63  }
0x14: {  	_ =	swait.ge [sflag:s3], $0x80  }
0x15: {  	[sflag:s3] =	ssyncset.done $0x0  }
0x16: {  	[sflag:s3] =	ssyncadd.s32 $0xFFFFFF80  }
0x17: {  	[tilespmem:s6], [sflag:$0x1] =	stream.indirect.gather [hbm4b:s5+s6], $0x80, s2, s6, $0xb8;
	[tilespmem:$0x4080] =	vst v63  }
0x18: {  	_ =	swait.ge [sflag:s7], $0x4000  }
0x19: {  	s10 =	sshll.u32 s10, $0x4;
	[sflag:s7] =	ssyncset.done $0x0  }
0x1a: {  	s10 =	sadd.s32 s23, s10;
	[sflag:s7] =	ssyncadd.s32 $0xFFFFC000  }
0x1b: {  	[hbm4b:s10+s2] =	stream.linear.scatter [tilespmem:s6], [sflag:$0x2], $0x4000, $0x38;
	[tilespmem:$0x4080] =	vst v63  }
0x1c: {  	s12 =	sor.u32 $0x100, s24;
	_ =	swait.ge [sflag:s3], $0x4000  }
0x1d: {  	s11 =	sshrl.u32 s12, $0x3;
	[sflag:s3] =	ssyncset.done $0x0  }
0x1e: {  	s11 =	sadd.s32 s21, s11;
	[sflag:s3] =	ssyncadd.s32 $0xFFFFC000  }
0x1f: {  	[tilespmem:s2], [sflag:$0x2] =	stream.linear.gather [hbm4b:s11+s2], $0x80, $0x38;
	[tilespmem:$0x4080] =	vst v63  }
0x20: {  	_ =	swait.ge [sflag:s3], $0x80  }
0x21: {  	[sflag:s3] =	ssyncset.done $0x0  }
0x22: {  	[sflag:s3] =	ssyncadd.s32 $0xFFFFFF80  }
0x23: {  	[tilespmem:s6], [sflag:$0x1] =	stream.indirect.gather [hbm4b:s5+s6], $0x80, s2, s6, $0xb8;
	[tilespmem:$0x4080] =	vst v63  }
0x24: {  	_ =	swait.ge [sflag:s7], $0x4000  }
0x25: {  	s12 =	sshll.u32 s12, $0x4;
	[sflag:s7] =	ssyncset.done $0x0  }
0x26: {  	s12 =	sadd.s32 s23, s12;
	[sflag:s7] =	ssyncadd.s32 $0xFFFFC000  }
0x27: {  	[hbm4b:s12+s2] =	stream.linear.scatter [tilespmem:s6], [sflag:$0x2], $0x4000, $0x38;
	[tilespmem:$0x4080] =	vst v63  }
0x28: {  	s14 =	sor.u32 $0x180, s24;
	_ =	swait.ge [sflag:s3], $0x4000  }
0x29: {  	s13 =	sshrl.u32 s14, $0x3;
	[sflag:s3] =	ssyncset.done $0x0  }
0x2a: {  	s13 =	sadd.s32 s21, s13;
	[sflag:s3] =	ssyncadd.s32 $0xFFFFC000  }
0x2b: {  	[tilespmem:s2], [sflag:$0x2] =	stream.linear.gather [hbm4b:s13+s2], $0x80, $0x38;
	[tilespmem:$0x4080] =	vst v63  }
0x2c: {  	_ =	swait.ge [sflag:s3], $0x80  }
0x2d: {  	[sflag:s3] =	ssyncset.done $0x0  }
0x2e: {  	[sflag:s3] =	ssyncadd.s32 $0xFFFFFF80  }
0x2f: {  	[tilespmem:s6], [sflag:$0x1] =	stream.indirect.gather [hbm4b:s5+s6], $0x80, s2, s6, $0xb8;
	[tilespmem:$0x4080] =	vst v63  }
0x30: {  	_ =	swait.ge [sflag:s7], $0x4000  }
0x31: {  	s14 =	sshll.u32 s14, $0x4;
	[sflag:s7] =	ssyncset.done $0x0  }
0x32: {  	s14 =	sadd.s32 s23, s14;
	[sflag:s7] =	ssyncadd.s32 $0xFFFFC000  }
0x33: {  	[hbm4b:s14+s2] =	stream.linear.scatter [tilespmem:s6], [sflag:$0x2], $0x4000, $0x38;
	[tilespmem:$0x4080] =	vst v63  }
0x34: {  	s16 =	sor.u32 $0x200, s24;
	_ =	swait.ge [sflag:s3], $0x4000  }
0x35: {  	s15 =	sshrl.u32 s16, $0x3;
	[sflag:s3] =	ssyncset.done $0x0  }
0x36: {  	s15 =	sadd.s32 s21, s15;
	[sflag:s3] =	ssyncadd.s32 $0xFFFFC000  }
0x37: {  	[tilespmem:s2], [sflag:$0x2] =	stream.linear.gather [hbm4b:s15+s2], $0x80, $0x38;
	[tilespmem:$0x4080] =	vst v63  }
0x38: {  	_ =	swait.ge [sflag:s3], $0x80  }
0x39: {  	[sflag:s3] =	ssyncset.done $0x0  }
0x3a: {  	[sflag:s3] =	ssyncadd.s32 $0xFFFFFF80  }
0x3b: {  	[tilespmem:s6], [sflag:$0x1] =	stream.indirect.gather [hbm4b:s5+s6], $0x80, s2, s6, $0xb8;
	[tilespmem:$0x4080] =	vst v63  }
0x3c: {  	_ =	swait.ge [sflag:s7], $0x4000  }
0x3d: {  	s16 =	sshll.u32 s16, $0x4;
	[sflag:s7] =	ssyncset.done $0x0  }
0x3e: {  	s16 =	sadd.s32 s23, s16;
	[sflag:s7] =	ssyncadd.s32 $0xFFFFC000  }
0x3f: {  	[hbm4b:s16+s2] =	stream.linear.scatter [tilespmem:s6], [sflag:$0x2], $0x4000, $0x38;
	[tilespmem:$0x4080] =	vst v63  }
0x40: {  	s18 =	sor.u32 $0x280, s24;
	_ =	swait.ge [sflag:s3], $0x4000  }
0x41: {  	s17 =	sshrl.u32 s18, $0x3;
	[sflag:s3] =	ssyncset.done $0x0  }
0x42: {  	s17 =	sadd.s32 s21, s17;
	[sflag:s3] =	ssyncadd.s32 $0xFFFFC000  }
0x43: {  	[tilespmem:s2], [sflag:$0x2] =	stream.linear.gather [hbm4b:s17+s2], $0x80, $0x38;
	[tilespmem:$0x4080] =	vst v63  }
0x44: {  	_ =	swait.ge [sflag:s3], $0x80  }
0x45: {  	[sflag:s3] =	ssyncset.done $0x0  }
0x46: {  	[sflag:s3] =	ssyncadd.s32 $0xFFFFFF80  }
0x47: {  	[tilespmem:s6], [sflag:$0x1] =	stream.indirect.gather [hbm4b:s5+s6], $0x80, s2, s6, $0xb8;
	[tilespmem:$0x4080] =	vst v63  }
0x48: {  	_ =	swait.ge [sflag:s7], $0x4000  }
0x49: {  	s18 =	sshll.u32 s18, $0x4;
	[sflag:s7] =	ssyncset.done $0x0  }
0x4a: {  	s18 =	sadd.s32 s23, s18;
	[sflag:s7] =	ssyncadd.s32 $0xFFFFC000  }
0x4b: {  	[hbm4b:s18+s2] =	stream.linear.scatter [tilespmem:s6], [sflag:$0x2], $0x4000, $0x38;
	[tilespmem:$0x4080] =	vst v63  }
0x4c: {  	s20 =	sor.u32 $0x300, s24;
	_ =	swait.ge [sflag:s3], $0x4000  }
0x4d: {  	s19 =	sshrl.u32 s20, $0x3;
	[sflag:s3] =	ssyncset.done $0x0  }
0x4e: {  	s19 =	sadd.s32 s21, s19;
	[sflag:s3] =	ssyncadd.s32 $0xFFFFC000  }
0x4f: {  	[tilespmem:s2], [sflag:$0x2] =	stream.linear.gather [hbm4b:s19+s2], $0x80, $0x38;
	[tilespmem:$0x4080] =	vst v63  }
0x50: {  	_ =	swait.ge [sflag:s3], $0x80  }
0x51: {  	[sflag:s3] =	ssyncset.done $0x0  }
0x52: {  	[sflag:s3] =	ssyncadd.s32 $0xFFFFFF80  }
0x53: {  	[tilespmem:s6], [sflag:$0x1] =	stream.indirect.gather [hbm4b:s5+s6], $0x80, s2, s6, $0xb8;
	[tilespmem:$0x4080] =	vst v63  }
0x54: {  	_ =	swait.ge [sflag:s7], $0x4000  }
0x55: {  	s20 =	sshll.u32 s20, $0x4;
	[sflag:s7] =	ssyncset.done $0x0  }
0x56: {  	s20 =	sadd.s32 s23, s20;
	[sflag:s7] =	ssyncadd.s32 $0xFFFFC000  }
0x57: {  	[hbm4b:s20+s2] =	stream.linear.scatter [tilespmem:s6], [sflag:$0x2], $0x4000, $0x38;
	[tilespmem:$0x4080] =	vst v63  }
0x58: {  	s24 =	sor.u32 $0x380, s24;
	_ =	swait.ge [sflag:s3], $0x4000  }
0x59: {  	s25 =	sshrl.u32 s24, $0x3;
	[sflag:s3] =	ssyncset.done $0x0  }
0x5a: {  	s22 =	ssub.s32 $0x2, s22;
	s21 =	sadd.s32 s21, s25;
	[sflag:s3] =	ssyncadd.s32 $0xFFFFC000  }
0x5b: {  	[tilespmem:s2], [sflag:$0x2] =	stream.linear.gather [hbm4b:s21+s2], $0x80, $0x38;
	[tilespmem:$0x4080] =	vst v63  }
0x5c: {  	s29 =	sshrl.u32 s22, $0x1;
	_ =	swait.ge [sflag:s3], $0x80  }
0x5d: {  	s25 =	ssub.s32 s22, s29;
	[sflag:s3] =	ssyncset.done $0x0  }
0x5e: {  	s31 =	smax.u32 s25, $0x1;
	[sflag:s3] =	ssyncadd.s32 $0xFFFFFF80  }
0x5f: {  	[tilespmem:s6], [sflag:$0x1] =	stream.indirect.gather [hbm4b:s5+s6], $0x80, s2, s6, $0xb8;
	[tilespmem:$0x4080] =	vst v63  }
0x60: {  	p0 =	sne.s32 s31, $0x1;
	_ =	swait.ge [sflag:s7], $0x4000  }
.Ltmp0:
0x61: {  	s30 =	sshll.u32 s24, $0x4;
	[sflag:s7] =	ssyncset.done $0x0;
	(pc) =	sbr.rel @!p0 .LBB2_2-.Ltmp0, $4  }
0x62: {  	s22 =	sadd.s32 s23, s30;
	[sflag:s7] =	ssyncadd.s32 $0xFFFFC000  }
0x63: {  	[hbm4b:s22+s2] =	stream.linear.scatter [tilespmem:s6], [sflag:$0x2], $0x4000, $0x38;
	[tilespmem:$0x4080] =	vst v63  }
0x64: {  	_ =	swait.ge [sflag:s3], $0x4000  }
0x65: {  	s23 =	sadd.s32 $0xFFFFFFFF, s31;
	[sflag:s3] =	ssyncset.done $0x0  }
.LBB2_1:
0x66: {  	p0 =	sne.s32 s23, $0x1;
	s23 =	sadd.s32 $0xFFFFFFFF, s23;
	[sflag:s3] =	ssyncadd.s32 $0xFFFFC000  }
0x67: {  	[tilespmem:s2], [sflag:$0x2] =	stream.linear.gather [hbm4b:s4+s2], $0x80, $0x38;
	[tilespmem:$0x4080] =	vst v63  }
0x68: {  	_ =	swait.ge [sflag:s3], $0x80  }
0x69: {  	[sflag:s3] =	ssyncset.done $0x0  }
0x6a: {  	[sflag:s3] =	ssyncadd.s32 $0xFFFFFF80  }
0x6b: {  	[tilespmem:s6], [sflag:$0x1] =	stream.indirect.gather [hbm4b:s5+s6], $0x80, s2, s6, $0xb8;
	[tilespmem:$0x4080] =	vst v63  }
0x6c: {  	_ =	swait.ge [sflag:s7], $0x4000  }
0x6d: {  	[sflag:s7] =	ssyncset.done $0x0  }
0x6e: {  	[sflag:s7] =	ssyncadd.s32 $0xFFFFC000  }
0x6f: {  	[hbm4b:s8+s2] =	stream.linear.scatter [tilespmem:s6], [sflag:$0x2], $0x4000, $0x38;
	[tilespmem:$0x4080] =	vst v63  }
0x70: {  	_ =	swait.ge [sflag:s3], $0x4000  }
0x71: {  	[sflag:s3] =	ssyncset.done $0x0  }
0x72: {  	[sflag:s3] =	ssyncadd.s32 $0xFFFFC000  }
0x73: {  	[tilespmem:s2], [sflag:$0x2] =	stream.linear.gather [hbm4b:s9+s2], $0x80, $0x38;
	[tilespmem:$0x4080] =	vst v63  }
0x74: {  	_ =	swait.ge [sflag:s3], $0x80  }
0x75: {  	[sflag:s3] =	ssyncset.done $0x0  }
0x76: {  	[sflag:s3] =	ssyncadd.s32 $0xFFFFFF80  }
0x77: {  	[tilespmem:s6], [sflag:$0x1] =	stream.indirect.gather [hbm4b:s5+s6], $0x80, s2, s6, $0xb8;
	[tilespmem:$0x4080] =	vst v63  }
0x78: {  	_ =	swait.ge [sflag:s7], $0x4000  }
0x79: {  	[sflag:s7] =	ssyncset.done $0x0  }
0x7a: {  	[sflag:s7] =	ssyncadd.s32 $0xFFFFC000  }
0x7b: {  	[hbm4b:s10+s2] =	stream.linear.scatter [tilespmem:s6], [sflag:$0x2], $0x4000, $0x38;
	[tilespmem:$0x4080] =	vst v63  }
0x7c: {  	_ =	swait.ge [sflag:s3], $0x4000  }
0x7d: {  	[sflag:s3] =	ssyncset.done $0x0  }
0x7e: {  	[sflag:s3] =	ssyncadd.s32 $0xFFFFC000  }
0x7f: {  	[tilespmem:s2], [sflag:$0x2] =	stream.linear.gather [hbm4b:s11+s2], $0x80, $0x38;
	[tilespmem:$0x4080] =	vst v63  }
0x80: {  	_ =	swait.ge [sflag:s3], $0x80  }
0x81: {  	[sflag:s3] =	ssyncset.done $0x0  }
0x82: {  	[sflag:s3] =	ssyncadd.s32 $0xFFFFFF80  }
0x83: {  	[tilespmem:s6], [sflag:$0x1] =	stream.indirect.gather [hbm4b:s5+s6], $0x80, s2, s6, $0xb8;
	[tilespmem:$0x4080] =	vst v63  }
0x84: {  	_ =	swait.ge [sflag:s7], $0x4000  }
0x85: {  	[sflag:s7] =	ssyncset.done $0x0  }
0x86: {  	[sflag:s7] =	ssyncadd.s32 $0xFFFFC000  }
0x87: {  	[hbm4b:s12+s2] =	stream.linear.scatter [tilespmem:s6], [sflag:$0x2], $0x4000, $0x38;
	[tilespmem:$0x4080] =	vst v63  }
0x88: {  	_ =	swait.ge [sflag:s3], $0x4000  }
0x89: {  	[sflag:s3] =	ssyncset.done $0x0  }
0x8a: {  	[sflag:s3] =	ssyncadd.s32 $0xFFFFC000  }
0x8b: {  	[tilespmem:s2], [sflag:$0x2] =	stream.linear.gather [hbm4b:s13+s2], $0x80, $0x38;
	[tilespmem:$0x4080] =	vst v63  }
0x8c: {  	_ =	swait.ge [sflag:s3], $0x80  }
0x8d: {  	[sflag:s3] =	ssyncset.done $0x0  }
0x8e: {  	[sflag:s3] =	ssyncadd.s32 $0xFFFFFF80  }
0x8f: {  	[tilespmem:s6], [sflag:$0x1] =	stream.indirect.gather [hbm4b:s5+s6], $0x80, s2, s6, $0xb8;
	[tilespmem:$0x4080] =	vst v63  }
0x90: {  	_ =	swait.ge [sflag:s7], $0x4000  }
0x91: {  	[sflag:s7] =	ssyncset.done $0x0  }
0x92: {  	[sflag:s7] =	ssyncadd.s32 $0xFFFFC000  }
0x93: {  	[hbm4b:s14+s2] =	stream.linear.scatter [tilespmem:s6], [sflag:$0x2], $0x4000, $0x38;
	[tilespmem:$0x4080] =	vst v63  }
0x94: {  	_ =	swait.ge [sflag:s3], $0x4000  }
0x95: {  	[sflag:s3] =	ssyncset.done $0x0  }
0x96: {  	[sflag:s3] =	ssyncadd.s32 $0xFFFFC000  }
0x97: {  	[tilespmem:s2], [sflag:$0x2] =	stream.linear.gather [hbm4b:s15+s2], $0x80, $0x38;
	[tilespmem:$0x4080] =	vst v63  }
0x98: {  	_ =	swait.ge [sflag:s3], $0x80  }
0x99: {  	[sflag:s3] =	ssyncset.done $0x0  }
0x9a: {  	[sflag:s3] =	ssyncadd.s32 $0xFFFFFF80  }
0x9b: {  	[tilespmem:s6], [sflag:$0x1] =	stream.indirect.gather [hbm4b:s5+s6], $0x80, s2, s6, $0xb8;
	[tilespmem:$0x4080] =	vst v63  }
0x9c: {  	_ =	swait.ge [sflag:s7], $0x4000  }
0x9d: {  	[sflag:s7] =	ssyncset.done $0x0  }
0x9e: {  	[sflag:s7] =	ssyncadd.s32 $0xFFFFC000  }
0x9f: {  	[hbm4b:s16+s2] =	stream.linear.scatter [tilespmem:s6], [sflag:$0x2], $0x4000, $0x38;
	[tilespmem:$0x4080] =	vst v63  }
0xa0: {  	_ =	swait.ge [sflag:s3], $0x4000  }
0xa1: {  	[sflag:s3] =	ssyncset.done $0x0  }
0xa2: {  	[sflag:s3] =	ssyncadd.s32 $0xFFFFC000  }
0xa3: {  	[tilespmem:s2], [sflag:$0x2] =	stream.linear.gather [hbm4b:s17+s2], $0x80, $0x38;
	[tilespmem:$0x4080] =	vst v63  }
0xa4: {  	_ =	swait.ge [sflag:s3], $0x80  }
0xa5: {  	[sflag:s3] =	ssyncset.done $0x0  }
0xa6: {  	[sflag:s3] =	ssyncadd.s32 $0xFFFFFF80  }
0xa7: {  	[tilespmem:s6], [sflag:$0x1] =	stream.indirect.gather [hbm4b:s5+s6], $0x80, s2, s6, $0xb8;
	[tilespmem:$0x4080] =	vst v63  }
0xa8: {  	_ =	swait.ge [sflag:s7], $0x4000  }
0xa9: {  	[sflag:s7] =	ssyncset.done $0x0  }
0xaa: {  	[sflag:s7] =	ssyncadd.s32 $0xFFFFC000  }
0xab: {  	[hbm4b:s18+s2] =	stream.linear.scatter [tilespmem:s6], [sflag:$0x2], $0x4000, $0x38;
	[tilespmem:$0x4080] =	vst v63  }
0xac: {  	_ =	swait.ge [sflag:s3], $0x4000  }
0xad: {  	[sflag:s3] =	ssyncset.done $0x0  }
0xae: {  	[sflag:s3] =	ssyncadd.s32 $0xFFFFC000  }
0xaf: {  	[tilespmem:s2], [sflag:$0x2] =	stream.linear.gather [hbm4b:s19+s2], $0x80, $0x38;
	[tilespmem:$0x4080] =	vst v63  }
0xb0: {  	_ =	swait.ge [sflag:s3], $0x80  }
0xb1: {  	[sflag:s3] =	ssyncset.done $0x0  }
0xb2: {  	[sflag:s3] =	ssyncadd.s32 $0xFFFFFF80  }
0xb3: {  	[tilespmem:s6], [sflag:$0x1] =	stream.indirect.gather [hbm4b:s5+s6], $0x80, s2, s6, $0xb8;
	[tilespmem:$0x4080] =	vst v63  }
0xb4: {  	_ =	swait.ge [sflag:s7], $0x4000  }
0xb5: {  	[sflag:s7] =	ssyncset.done $0x0  }
0xb6: {  	[sflag:s7] =	ssyncadd.s32 $0xFFFFC000  }
0xb7: {  	[hbm4b:s20+s2] =	stream.linear.scatter [tilespmem:s6], [sflag:$0x2], $0x4000, $0x38;
	[tilespmem:$0x4080] =	vst v63  }
0xb8: {  	_ =	swait.ge [sflag:s3], $0x4000  }
0xb9: {  	[sflag:s3] =	ssyncset.done $0x0  }
0xba: {  	[sflag:s3] =	ssyncadd.s32 $0xFFFFC000  }
0xbb: {  	[tilespmem:s2], [sflag:$0x2] =	stream.linear.gather [hbm4b:s21+s2], $0x80, $0x38;
	[tilespmem:$0x4080] =	vst v63  }
0xbc: {  	_ =	swait.ge [sflag:s3], $0x80  }
0xbd: {  	[sflag:s3] =	ssyncset.done $0x0  }
0xbe: {  	[sflag:s3] =	ssyncadd.s32 $0xFFFFFF80  }
0xbf: {  	[tilespmem:s6], [sflag:$0x1] =	stream.indirect.gather [hbm4b:s5+s6], $0x80, s2, s6, $0xb8;
	[tilespmem:$0x4080] =	vst v63  }
0xc0: {  	_ =	swait.ge [sflag:s7], $0x4000  }
.Ltmp1:
0xc1: {  	[sflag:s7] =	ssyncset.done $0x0;
	(pc) =	sbr.rel @p0 .LBB2_1-.Ltmp1, $4  }
0xc2: {  	[sflag:s7] =	ssyncadd.s32 $0xFFFFC000  }
0xc3: {  	[hbm4b:s22+s2] =	stream.linear.scatter [tilespmem:s6], [sflag:$0x2], $0x4000, $0x38;
	[tilespmem:$0x4080] =	vst v63  }
0xc4: {  	_ =	swait.ge [sflag:s3], $0x4000  }
0xc5: {  	[sflag:s3] =	ssyncset.done $0x0  }
.LBB2_2:
0xc6: {  	[sflag:s3] =	ssyncadd.s32 $0xFFFFC000  }
0xc7: {  	_ =	sfence.sel $0x180000  }
0xc8: {  	[bflag:$0x0] =	sbarrier.arrive $0xFFFF  }
0xc9: {  	p0 =	sne.s32 s0, $0x0;
	_ =	strace $0x9000004A  }
0xca: {  	s0 =	sadd.s32 @!p0 $0x100000, s1;
	[bflag:$0x2] =	sbarrier.arrive $0xFFFF  }
0xcb: {  	[sflag:s0] =	ssyncadd.tile.s32 @!p0 $0x1;
	_ =	shalt  }
.Lfunc_end2:
_tile_overlayer_lowered:
.L_overlay_start_2:
0xcc: {  	(tag) =	ssettag $0x2  }
0xcd: {  	s0 =	rddreg [dreg:$0x0];
	s2 =	stileid.u32  }
0xce: {  	s1 =	rddreg [dreg:$0x1];
	p0 =	sne.s32 s2, $0x0  }
0xcf: {  	s3 =	rddreg [dreg:$0x2];
	[bflag:$0x3] =	sbarrier.arrive $0xFFFF;
	s2 =	simm.s32 @!p0 $0x1C02  }
0xd0: {  	[timem:s3], [sflag:s2] =	dma.local @!p0 [hbm:s0], s1  }
0xd1: {  	s0 =	simm.s32 @!p0 $0x2  }
0xd2: {  	_ =	swait.ge @!p0 [sflag:s0], s1  }
0xd3: {  	s1 =	ssub.s32 @!p0 $0x0, s1;
	[sflag:s0] =	ssyncset.done @!p0 $0x0  }
0xd4: {  	[sflag:s0] =	ssyncadd.s32 @!p0 s1  }
0xd5: {  	[bflag:$0x3] =	sbarrier.arrive $0xFFFF  }
0xd6: {  	_ =	shalt  }

</sc_bundles>
